<compile_context>
chip_gen: v7x
topology: tpu7x:2x2x1
jax: 0.10.2.dev20260603
libtpu: 0.0.44.dev20260713+nightly
codegen_flags: <defaults>
</compile_context>

<pallas_src>
import functools

import jax
import jax.numpy as jnp
from jax import lax
from jax.experimental import pallas as pl
from jax.experimental.pallas import tpu as pltpu
from jax.experimental.pallas import tpu_sc as plsc

EMBED_DIM = 64


@functools.lru_cache(maxsize=None)
def _make_gather(nb: int, ns_pad: int):
    D = EMBED_DIM
    info = plsc.get_sparse_core_info()
    NC, NS, L = info.num_cores, info.num_subcores, info.num_lanes
    NW = NC * NS
    assert nb % NW == 0
    b_per_w = nb // NW
    GB = 8
    CH = GB * ns_pad
    n_ch = b_per_w // GB
    assert n_ch % 2 == 0
    B2 = nb * ns_pad

    mesh = plsc.VectorSubcoreMesh(core_axis_name="c", subcore_axis_name="s")

    @functools.partial(
        pl.kernel,
        mesh=mesh,
        out_type=jax.ShapeDtypeStruct((B2, 2 * D), jnp.float32),
        scratch_types=[
            pltpu.VMEM((b_per_w * ns_pad,), jnp.int32),
            [pltpu.VMEM((CH, 2 * D), jnp.float32)] * 2,
            [pltpu.SemaphoreType.DMA] * 2,
            [pltpu.SemaphoreType.DMA] * 2,
        ],
        compiler_params=pltpu.CompilerParams(needs_layout_passes=False),
    )
    def gather_kernel(t128_hbm, idx_hbm, out_hbm, idx_v, rows_v, gsem, ssem):
        wid = lax.axis_index("s") * NC + lax.axis_index("c")
        base = wid * b_per_w * ns_pad
        pltpu.sync_copy(idx_hbm.at[pl.ds(base, b_per_w * ns_pad)], idx_v)

        def gather_start(i, b):
            return pltpu.async_copy(
                t128_hbm.at[idx_v.at[pl.ds(i * CH, CH)]], rows_v[b], gsem[b]
            )

        def scatter_start(i, b):
            return pltpu.async_copy(
                rows_v[b], out_hbm.at[pl.ds(base + i * CH, CH)], ssem[b]
            )

        gather_start(0, 0)

        for i in range(n_ch):
            b = i % 2
            if i + 1 < n_ch:
                if i >= 1:
                    pltpu.make_async_copy(
                        rows_v[1 - b],
                        out_hbm.at[pl.ds(base + (i - 1) * CH, CH)],
                        ssem[1 - b],
                    ).wait()
                gather_start(i + 1, 1 - b)
            pltpu.make_async_copy(
                t128_hbm.at[idx_v.at[pl.ds(i * CH, CH)]], rows_v[b], gsem[b]
            ).wait()
            scatter_start(i, b)
        pltpu.make_async_copy(
            rows_v[(n_ch - 2) % 2],
            out_hbm.at[pl.ds(base + (n_ch - 2) * CH, CH)],
            ssem[(n_ch - 2) % 2],
        ).wait()
        pltpu.make_async_copy(
            rows_v[(n_ch - 1) % 2],
            out_hbm.at[pl.ds(base + (n_ch - 1) * CH, CH)],
            ssem[(n_ch - 1) % 2],
        ).wait()

    return gather_kernel


def kernel(table, inputs):
    nb, ns = inputs.shape
    D = table.shape[1]
    ns_pad = (ns + 7) // 8 * 8
    idx = jnp.pad(
        inputs.astype(jnp.int32), ((0, 0), (0, ns_pad - ns)), mode="edge"
    ).reshape(-1)
    table128 = jnp.pad(table, ((0, 0), (0, D)))
    out2 = _make_gather(nb, ns_pad)(table128, idx)
    return out2.reshape(nb, ns_pad, 2 * D)[:, :ns, :D]

# --- scband reference (transcript-rebuilt; emitter-appended) ---
"""Pipeline reference for scband-concept-embedding-26783416058500 (READ-ONLY COPY).

The authoritative reference and input builder live on the scoring server;
editing this copy changes nothing except your own understanding.
"""

import jax, jax.numpy as jnp
import numpy as np

NUM_EMBEDDINGS = 1000000
EMBED_DIM = 64
PADDING_IDX = 0

def setup_inputs(seed: int = 0) -> dict:
    key = jax.random.key(seed)
    k1, k2 = jax.random.split(key)
    inputs = jax.random.randint(k1, (4096, 50), 0, NUM_EMBEDDINGS, dtype=jnp.int64)
    table = jax.random.normal(k2, (NUM_EMBEDDINGS, EMBED_DIM), dtype=jnp.float32)
    # torch nn.Embedding zero-initializes the padding row
    table = table.at[PADDING_IDX].set(0.0)
    return {"table": table, "inputs": inputs}

def reference(table, inputs):
    # nn.Embedding forward: gather rows from the table
    return jnp.take(table, inputs, axis=0)

if __name__ == "__main__":
    import jax
    _d = setup_inputs()
    print(jax.jit(kernel)(*tuple(_d.values())))

</pallas_src>

<mosaic_0001>
#map = affine_map<(d0, d1) -> (0, 0)>
#map1 = affine_map<(d0, d1) -> (0)>
module attributes {stable_mosaic.version = 14 : i64} {
  func.func @gather_kernel(%arg0: i32, %arg1: i32, %arg2: memref<1000000x128xf32, #tpu.memory_space<hbm>>, %arg3: memref<229376xi32, #tpu.memory_space<hbm>>, %arg4: memref<229376x128xf32, #tpu.memory_space<hbm>>, %arg5: memref<7168xi32, #tpu.memory_space<vmem>>, %arg6: memref<448x128xf32, #tpu.memory_space<vmem>>, %arg7: memref<448x128xf32, #tpu.memory_space<vmem>>, %arg8: memref<!tpu.dma_semaphore, #tpu.memory_space<semaphore_mem>>, %arg9: memref<!tpu.dma_semaphore, #tpu.memory_space<semaphore_mem>>, %arg10: memref<!tpu.dma_semaphore, #tpu.memory_space<semaphore_mem>>, %arg11: memref<!tpu.dma_semaphore, #tpu.memory_space<semaphore_mem>>) attributes {dimension_semantics = [#tpu.dimension_semantics<core_parallel>, #tpu.dimension_semantics<subcore_parallel>], iteration_bounds = array<i64: 2, 16>, scalar_prefetch = 0 : i64, scratch_operands = 7 : i64, tpu.core_type = #tpu.core_type<sc_vector_subcore>, window_params = [{transform_indices = #map}, {transform_indices = #map1}, {transform_indices = #map}]} {
    %mul3A = arith.constant 2 : i32
    %mul3A_0 = arith.muli %arg1, %mul3A : i32
    %add3A = arith.addi %mul3A_0, %arg0 : i32
    %mul3A_1 = arith.constant 128 : i32
    %mul3A_2 = arith.muli %add3A, %mul3A_1 : i32
    %mul3A_3 = arith.constant 56 : i32
    %mul3A_4 = arith.muli %mul3A_2, %mul3A_3 : i32
    "tpu.region"() ({
      %run_scoped3A = tpu.sem_alloc : memref<!tpu.dma_semaphore, #tpu.memory_space<semaphore_mem>>
      %dma_start3A_355 = tpu.memref_slice %arg3[%mul3A_4] : memref<229376xi32, #tpu.memory_space<hbm>> -> memref<7168xi32, #tpu.memory_space<hbm>>
      %dma_start3A_356 = tpu.memref_slice %arg3[%mul3A_4] : memref<229376xi32, #tpu.memory_space<hbm>> -> memref<7168xi32, #tpu.memory_space<hbm>>
      tpu.enqueue_dma source(%dma_start3A_356 : memref<7168xi32, #tpu.memory_space<hbm>>) target(%arg5 : memref<7168xi32, #tpu.memory_space<vmem>>) target_semaphore(%run_scoped3A : memref<!tpu.dma_semaphore, #tpu.memory_space<semaphore_mem>>)
      %dma_wait3A_357 = tpu.memref_slice %arg3[%mul3A_4] : memref<229376xi32, #tpu.memory_space<hbm>> -> memref<7168xi32, #tpu.memory_space<hbm>>
      %dma_wait3A_358 = tpu.memref_slice %arg3[%mul3A_4] : memref<229376xi32, #tpu.memory_space<hbm>> -> memref<7168xi32, #tpu.memory_space<hbm>>
      tpu.wait_dma2 semaphore(%run_scoped3A : memref<!tpu.dma_semaphore, #tpu.memory_space<semaphore_mem>>) src(%dma_wait3A_358 : memref<7168xi32, #tpu.memory_space<hbm>>) dst(%arg5 : memref<7168xi32, #tpu.memory_space<vmem>>)
      tpu.yield
    }) : () -> ()
    %dma_start3A = arith.constant 0 : i32
    %dma_start3A_5 = tpu.memref_slice %arg5[%dma_start3A] : memref<7168xi32, #tpu.memory_space<vmem>> -> memref<448xi32, #tpu.memory_space<vmem>>
    %dma_start3A_6 = arith.constant 0 : i32
    %dma_start3A_7 = arith.constant 0 : i32
    %dma_start3A_8 = tpu.memref_slice %arg2[%dma_start3A_6, %dma_start3A_7] : memref<1000000x128xf32, #tpu.memory_space<hbm>> -> memref<1000000x128xf32, #tpu.memory_space<hbm>>
    tpu.enqueue_indirect_dma source(%dma_start3A_8 : memref<1000000x128xf32, #tpu.memory_space<hbm>>) target(%arg6 : memref<448x128xf32, #tpu.memory_space<vmem>>) offsets(%dma_start3A_5 : memref<448xi32, #tpu.memory_space<vmem>>) semaphore(%arg8 : memref<!tpu.dma_semaphore, #tpu.memory_space<semaphore_mem>>)
    %dma_start3A_9 = arith.constant 448 : i32
    %dma_start3A_10 = tpu.memref_slice %arg5[%dma_start3A_9] : memref<7168xi32, #tpu.memory_space<vmem>> -> memref<448xi32, #tpu.memory_space<vmem>>
    %dma_start3A_11 = arith.constant 0 : i32
    %dma_start3A_12 = arith.constant 0 : i32
    %dma_start3A_13 = tpu.memref_slice %arg2[%dma_start3A_11, %dma_start3A_12] : memref<1000000x128xf32, #tpu.memory_space<hbm>> -> memref<1000000x128xf32, #tpu.memory_space<hbm>>
    tpu.enqueue_indirect_dma source(%dma_start3A_13 : memref<1000000x128xf32, #tpu.memory_space<hbm>>) target(%arg7 : memref<448x128xf32, #tpu.memory_space<vmem>>) offsets(%dma_start3A_10 : memref<448xi32, #tpu.memory_space<vmem>>) semaphore(%arg9 : memref<!tpu.dma_semaphore, #tpu.memory_space<semaphore_mem>>)
    %dma_wait3A = arith.constant 0 : i32
    %dma_wait3A_14 = tpu.memref_slice %arg5[%dma_wait3A] : memref<7168xi32, #tpu.memory_space<vmem>> -> memref<448xi32, #tpu.memory_space<vmem>>
    %dma_wait3A_15 = arith.constant 0 : i32
    %dma_wait3A_16 = arith.constant 0 : i32
    %dma_wait3A_17 = tpu.memref_slice %arg2[%dma_wait3A_15, %dma_wait3A_16] : memref<1000000x128xf32, #tpu.memory_space<hbm>> -> memref<1000000x128xf32, #tpu.memory_space<hbm>>
    tpu.wait_indirect_dma semaphore(%arg8 : memref<!tpu.dma_semaphore, #tpu.memory_space<semaphore_mem>>) src(%dma_wait3A_17 : memref<1000000x128xf32, #tpu.memory_space<hbm>>) dst(%arg6 : memref<448x128xf32, #tpu.memory_space<vmem>>)
    %add3A_18 = arith.constant 0 : i32
    %add3A_19 = arith.addi %mul3A_4, %add3A_18 : i32
    %dma_start3A_20 = arith.constant 0 : i32
    %dma_start3A_21 = tpu.memref_slice %arg4[%add3A_19, %dma_start3A_20] : memref<229376x128xf32, #tpu.memory_space<hbm>> -> memref<448x128xf32, #tpu.memory_space<hbm>>
    %dma_start3A_22 = arith.constant 0 : i32
    %dma_start3A_23 = tpu.memref_slice %arg4[%add3A_19, %dma_start3A_22] : memref<229376x128xf32, #tpu.memory_space<hbm>> -> memref<448x128xf32, #tpu.memory_space<hbm>>
    tpu.enqueue_dma source(%arg6 : memref<448x128xf32, #tpu.memory_space<vmem>>) target(%dma_start3A_23 : memref<448x128xf32, #tpu.memory_space<hbm>>) target_semaphore(%arg10 : memref<!tpu.dma_semaphore, #tpu.memory_space<semaphore_mem>>)
    %add3A_24 = arith.constant 0 : i32
    %add3A_25 = arith.addi %mul3A_4, %add3A_24 : i32
    %dma_wait3A_26 = arith.constant 0 : i32
    %dma_wait3A_27 = tpu.memref_slice %arg4[%add3A_25, %dma_wait3A_26] : memref<229376x128xf32, #tpu.memory_space<hbm>> -> memref<448x128xf32, #tpu.memory_space<hbm>>
    %dma_wait3A_28 = arith.constant 0 : i32
    %dma_wait3A_29 = tpu.memref_slice %arg4[%add3A_25, %dma_wait3A_28] : memref<229376x128xf32, #tpu.memory_space<hbm>> -> memref<448x128xf32, #tpu.memory_space<hbm>>
    tpu.wait_dma2 semaphore(%arg10 : memref<!tpu.dma_semaphore, #tpu.memory_space<semaphore_mem>>) src(%arg6 : memref<448x128xf32, #tpu.memory_space<vmem>>) dst(%dma_wait3A_29 : memref<448x128xf32, #tpu.memory_space<hbm>>)
    %dma_start3A_30 = arith.constant 896 : i32
    %dma_start3A_31 = tpu.memref_slice %arg5[%dma_start3A_30] : memref<7168xi32, #tpu.memory_space<vmem>> -> memref<448xi32, #tpu.memory_space<vmem>>
    %dma_start3A_32 = arith.constant 0 : i32
    %dma_start3A_33 = arith.constant 0 : i32
    %dma_start3A_34 = tpu.memref_slice %arg2[%dma_start3A_32, %dma_start3A_33] : memref<1000000x128xf32, #tpu.memory_space<hbm>> -> memref<1000000x128xf32, #tpu.memory_space<hbm>>
    tpu.enqueue_indirect_dma source(%dma_start3A_34 : memref<1000000x128xf32, #tpu.memory_space<hbm>>) target(%arg6 : memref<448x128xf32, #tpu.memory_space<vmem>>) offsets(%dma_start3A_31 : memref<448xi32, #tpu.memory_space<vmem>>) semaphore(%arg8 : memref<!tpu.dma_semaphore, #tpu.memory_space<semaphore_mem>>)
    %dma_wait3A_35 = arith.constant 448 : i32
    %dma_wait3A_36 = tpu.memref_slice %arg5[%dma_wait3A_35] : memref<7168xi32, #tpu.memory_space<vmem>> -> memref<448xi32, #tpu.memory_space<vmem>>
    %dma_wait3A_37 = arith.constant 0 : i32
    %dma_wait3A_38 = arith.constant 0 : i32
    %dma_wait3A_39 = tpu.memref_slice %arg2[%dma_wait3A_37, %dma_wait3A_38] : memref<1000000x128xf32, #tpu.memory_space<hbm>> -> memref<1000000x128xf32, #tpu.memory_space<hbm>>
    tpu.wait_indirect_dma semaphore(%arg9 : memref<!tpu.dma_semaphore, #tpu.memory_space<semaphore_mem>>) src(%dma_wait3A_39 : memref<1000000x128xf32, #tpu.memory_space<hbm>>) dst(%arg7 : memref<448x128xf32, #tpu.memory_space<vmem>>)
    %add3A_40 = arith.constant 448 : i32
    %add3A_41 = arith.addi %mul3A_4, %add3A_40 : i32
    %dma_start3A_42 = arith.constant 0 : i32
    %dma_start3A_43 = tpu.memref_slice %arg4[%add3A_41, %dma_start3A_42] : memref<229376x128xf32, #tpu.memory_space<hbm>> -> memref<448x128xf32, #tpu.memory_space<hbm>>
    %dma_start3A_44 = arith.constant 0 : i32
    %dma_start3A_45 = tpu.memref_slice %arg4[%add3A_41, %dma_start3A_44] : memref<229376x128xf32, #tpu.memory_space<hbm>> -> memref<448x128xf32, #tpu.memory_space<hbm>>
    tpu.enqueue_dma source(%arg7 : memref<448x128xf32, #tpu.memory_space<vmem>>) target(%dma_start3A_45 : memref<448x128xf32, #tpu.memory_space<hbm>>) target_semaphore(%arg11 : memref<!tpu.dma_semaphore, #tpu.memory_space<semaphore_mem>>)
    %add3A_46 = arith.constant 448 : i32
    %add3A_47 = arith.addi %mul3A_4, %add3A_46 : i32
    %dma_wait3A_48 = arith.constant 0 : i32
    %dma_wait3A_49 = tpu.memref_slice %arg4[%add3A_47, %dma_wait3A_48] : memref<229376x128xf32, #tpu.memory_space<hbm>> -> memref<448x128xf32, #tpu.memory_space<hbm>>
    %dma_wait3A_50 = arith.constant 0 : i32
    %dma_wait3A_51 = tpu.memref_slice %arg4[%add3A_47, %dma_wait3A_50] : memref<229376x128xf32, #tpu.memory_space<hbm>> -> memref<448x128xf32, #tpu.memory_space<hbm>>
    tpu.wait_dma2 semaphore(%arg11 : memref<!tpu.dma_semaphore, #tpu.memory_space<semaphore_mem>>) src(%arg7 : memref<448x128xf32, #tpu.memory_space<vmem>>) dst(%dma_wait3A_51 : memref<448x128xf32, #tpu.memory_space<hbm>>)
    %dma_start3A_52 = arith.constant 1344 : i32
    %dma_start3A_53 = tpu.memref_slice %arg5[%dma_start3A_52] : memref<7168xi32, #tpu.memory_space<vmem>> -> memref<448xi32, #tpu.memory_space<vmem>>
    %dma_start3A_54 = arith.constant 0 : i32
    %dma_start3A_55 = arith.constant 0 : i32
    %dma_start3A_56 = tpu.memref_slice %arg2[%dma_start3A_54, %dma_start3A_55] : memref<1000000x128xf32, #tpu.memory_space<hbm>> -> memref<1000000x128xf32, #tpu.memory_space<hbm>>
    tpu.enqueue_indirect_dma source(%dma_start3A_56 : memref<1000000x128xf32, #tpu.memory_space<hbm>>) target(%arg7 : memref<448x128xf32, #tpu.memory_space<vmem>>) offsets(%dma_start3A_53 : memref<448xi32, #tpu.memory_space<vmem>>) semaphore(%arg9 : memref<!tpu.dma_semaphore, #tpu.memory_space<semaphore_mem>>)
    %dma_wait3A_57 = arith.constant 896 : i32
    %dma_wait3A_58 = tpu.memref_slice %arg5[%dma_wait3A_57] : memref<7168xi32, #tpu.memory_space<vmem>> -> memref<448xi32, #tpu.memory_space<vmem>>
    %dma_wait3A_59 = arith.constant 0 : i32
    %dma_wait3A_60 = arith.constant 0 : i32
    %dma_wait3A_61 = tpu.memref_slice %arg2[%dma_wait3A_59, %dma_wait3A_60] : memref<1000000x128xf32, #tpu.memory_space<hbm>> -> memref<1000000x128xf32, #tpu.memory_space<hbm>>
    tpu.wait_indirect_dma semaphore(%arg8 : memref<!tpu.dma_semaphore, #tpu.memory_space<semaphore_mem>>) src(%dma_wait3A_61 : memref<1000000x128xf32, #tpu.memory_space<hbm>>) dst(%arg6 : memref<448x128xf32, #tpu.memory_space<vmem>>)
    %add3A_62 = arith.constant 896 : i32
    %add3A_63 = arith.addi %mul3A_4, %add3A_62 : i32
    %dma_start3A_64 = arith.constant 0 : i32
    %dma_start3A_65 = tpu.memref_slice %arg4[%add3A_63, %dma_start3A_64] : memref<229376x128xf32, #tpu.memory_space<hbm>> -> memref<448x128xf32, #tpu.memory_space<hbm>>
    %dma_start3A_66 = arith.constant 0 : i32
    %dma_start3A_67 = tpu.memref_slice %arg4[%add3A_63, %dma_start3A_66] : memref<229376x128xf32, #tpu.memory_space<hbm>> -> memref<448x128xf32, #tpu.memory_space<hbm>>
    tpu.enqueue_dma source(%arg6 : memref<448x128xf32, #tpu.memory_space<vmem>>) target(%dma_start3A_67 : memref<448x128xf32, #tpu.memory_space<hbm>>) target_semaphore(%arg10 : memref<!tpu.dma_semaphore, #tpu.memory_space<semaphore_mem>>)
    %add3A_68 = arith.constant 896 : i32
    %add3A_69 = arith.addi %mul3A_4, %add3A_68 : i32
    %dma_wait3A_70 = arith.constant 0 : i32
    %dma_wait3A_71 = tpu.memref_slice %arg4[%add3A_69, %dma_wait3A_70] : memref<229376x128xf32, #tpu.memory_space<hbm>> -> memref<448x128xf32, #tpu.memory_space<hbm>>
    %dma_wait3A_72 = arith.constant 0 : i32
    %dma_wait3A_73 = tpu.memref_slice %arg4[%add3A_69, %dma_wait3A_72] : memref<229376x128xf32, #tpu.memory_space<hbm>> -> memref<448x128xf32, #tpu.memory_space<hbm>>
    tpu.wait_dma2 semaphore(%arg10 : memref<!tpu.dma_semaphore, #tpu.memory_space<semaphore_mem>>) src(%arg6 : memref<448x128xf32, #tpu.memory_space<vmem>>) dst(%dma_wait3A_73 : memref<448x128xf32, #tpu.memory_space<hbm>>)
    %dma_start3A_74 = arith.constant 1792 : i32
    %dma_start3A_75 = tpu.memref_slice %arg5[%dma_start3A_74] : memref<7168xi32, #tpu.memory_space<vmem>> -> memref<448xi32, #tpu.memory_space<vmem>>
    %dma_start3A_76 = arith.constant 0 : i32
    %dma_start3A_77 = arith.constant 0 : i32
    %dma_start3A_78 = tpu.memref_slice %arg2[%dma_start3A_76, %dma_start3A_77] : memref<1000000x128xf32, #tpu.memory_space<hbm>> -> memref<1000000x128xf32, #tpu.memory_space<hbm>>
    tpu.enqueue_indirect_dma source(%dma_start3A_78 : memref<1000000x128xf32, #tpu.memory_space<hbm>>) target(%arg6 : memref<448x128xf32, #tpu.memory_space<vmem>>) offsets(%dma_start3A_75 : memref<448xi32, #tpu.memory_space<vmem>>) semaphore(%arg8 : memref<!tpu.dma_semaphore, #tpu.memory_space<semaphore_mem>>)
    %dma_wait3A_79 = arith.constant 1344 : i32
    %dma_wait3A_80 = tpu.memref_slice %arg5[%dma_wait3A_79] : memref<7168xi32, #tpu.memory_space<vmem>> -> memref<448xi32, #tpu.memory_space<vmem>>
    %dma_wait3A_81 = arith.constant 0 : i32
    %dma_wait3A_82 = arith.constant 0 : i32
    %dma_wait3A_83 = tpu.memref_slice %arg2[%dma_wait3A_81, %dma_wait3A_82] : memref<1000000x128xf32, #tpu.memory_space<hbm>> -> memref<1000000x128xf32, #tpu.memory_space<hbm>>
    tpu.wait_indirect_dma semaphore(%arg9 : memref<!tpu.dma_semaphore, #tpu.memory_space<semaphore_mem>>) src(%dma_wait3A_83 : memref<1000000x128xf32, #tpu.memory_space<hbm>>) dst(%arg7 : memref<448x128xf32, #tpu.memory_space<vmem>>)
    %add3A_84 = arith.constant 1344 : i32
    %add3A_85 = arith.addi %mul3A_4, %add3A_84 : i32
    %dma_start3A_86 = arith.constant 0 : i32
    %dma_start3A_87 = tpu.memref_slice %arg4[%add3A_85, %dma_start3A_86] : memref<229376x128xf32, #tpu.memory_space<hbm>> -> memref<448x128xf32, #tpu.memory_space<hbm>>
    %dma_start3A_88 = arith.constant 0 : i32
    %dma_start3A_89 = tpu.memref_slice %arg4[%add3A_85, %dma_start3A_88] : memref<229376x128xf32, #tpu.memory_space<hbm>> -> memref<448x128xf32, #tpu.memory_space<hbm>>
    tpu.enqueue_dma source(%arg7 : memref<448x128xf32, #tpu.memory_space<vmem>>) target(%dma_start3A_89 : memref<448x128xf32, #tpu.memory_space<hbm>>) target_semaphore(%arg11 : memref<!tpu.dma_semaphore, #tpu.memory_space<semaphore_mem>>)
    %add3A_90 = arith.constant 1344 : i32
    %add3A_91 = arith.addi %mul3A_4, %add3A_90 : i32
    %dma_wait3A_92 = arith.constant 0 : i32
    %dma_wait3A_93 = tpu.memref_slice %arg4[%add3A_91, %dma_wait3A_92] : memref<229376x128xf32, #tpu.memory_space<hbm>> -> memref<448x128xf32, #tpu.memory_space<hbm>>
    %dma_wait3A_94 = arith.constant 0 : i32
    %dma_wait3A_95 = tpu.memref_slice %arg4[%add3A_91, %dma_wait3A_94] : memref<229376x128xf32, #tpu.memory_space<hbm>> -> memref<448x128xf32, #tpu.memory_space<hbm>>
    tpu.wait_dma2 semaphore(%arg11 : memref<!tpu.dma_semaphore, #tpu.memory_space<semaphore_mem>>) src(%arg7 : memref<448x128xf32, #tpu.memory_space<vmem>>) dst(%dma_wait3A_95 : memref<448x128xf32, #tpu.memory_space<hbm>>)
    %dma_start3A_96 = arith.constant 2240 : i32
    %dma_start3A_97 = tpu.memref_slice %arg5[%dma_start3A_96] : memref<7168xi32, #tpu.memory_space<vmem>> -> memref<448xi32, #tpu.memory_space<vmem>>
    %dma_start3A_98 = arith.constant 0 : i32
    %dma_start3A_99 = arith.constant 0 : i32
    %dma_start3A_100 = tpu.memref_slice %arg2[%dma_start3A_98, %dma_start3A_99] : memref<1000000x128xf32, #tpu.memory_space<hbm>> -> memref<1000000x128xf32, #tpu.memory_space<hbm>>
    tpu.enqueue_indirect_dma source(%dma_start3A_100 : memref<1000000x128xf32, #tpu.memory_space<hbm>>) target(%arg7 : memref<448x128xf32, #tpu.memory_space<vmem>>) offsets(%dma_start3A_97 : memref<448xi32, #tpu.memory_space<vmem>>) semaphore(%arg9 : memref<!tpu.dma_semaphore, #tpu.memory_space<semaphore_mem>>)
    %dma_wait3A_101 = arith.constant 1792 : i32
    %dma_wait3A_102 = tpu.memref_slice %arg5[%dma_wait3A_101] : memref<7168xi32, #tpu.memory_space<vmem>> -> memref<448xi32, #tpu.memory_space<vmem>>
    %dma_wait3A_103 = arith.constant 0 : i32
    %dma_wait3A_104 = arith.constant 0 : i32
    %dma_wait3A_105 = tpu.memref_slice %arg2[%dma_wait3A_103, %dma_wait3A_104] : memref<1000000x128xf32, #tpu.memory_space<hbm>> -> memref<1000000x128xf32, #tpu.memory_space<hbm>>
    tpu.wait_indirect_dma semaphore(%arg8 : memref<!tpu.dma_semaphore, #tpu.memory_space<semaphore_mem>>) src(%dma_wait3A_105 : memref<1000000x128xf32, #tpu.memory_space<hbm>>) dst(%arg6 : memref<448x128xf32, #tpu.memory_space<vmem>>)
    %add3A_106 = arith.constant 1792 : i32
    %add3A_107 = arith.addi %mul3A_4, %add3A_106 : i32
    %dma_start3A_108 = arith.constant 0 : i32
    %dma_start3A_109 = tpu.memref_slice %arg4[%add3A_107, %dma_start3A_108] : memref<229376x128xf32, #tpu.memory_space<hbm>> -> memref<448x128xf32, #tpu.memory_space<hbm>>
    %dma_start3A_110 = arith.constant 0 : i32
    %dma_start3A_111 = tpu.memref_slice %arg4[%add3A_107, %dma_start3A_110] : memref<229376x128xf32, #tpu.memory_space<hbm>> -> memref<448x128xf32, #tpu.memory_space<hbm>>
    tpu.enqueue_dma source(%arg6 : memref<448x128xf32, #tpu.memory_space<vmem>>) target(%dma_start3A_111 : memref<448x128xf32, #tpu.memory_space<hbm>>) target_semaphore(%arg10 : memref<!tpu.dma_semaphore, #tpu.memory_space<semaphore_mem>>)
    %add3A_112 = arith.constant 1792 : i32
    %add3A_113 = arith.addi %mul3A_4, %add3A_112 : i32
    %dma_wait3A_114 = arith.constant 0 : i32
    %dma_wait3A_115 = tpu.memref_slice %arg4[%add3A_113, %dma_wait3A_114] : memref<229376x128xf32, #tpu.memory_space<hbm>> -> memref<448x128xf32, #tpu.memory_space<hbm>>
    %dma_wait3A_116 = arith.constant 0 : i32
    %dma_wait3A_117 = tpu.memref_slice %arg4[%add3A_113, %dma_wait3A_116] : memref<229376x128xf32, #tpu.memory_space<hbm>> -> memref<448x128xf32, #tpu.memory_space<hbm>>
    tpu.wait_dma2 semaphore(%arg10 : memref<!tpu.dma_semaphore, #tpu.memory_space<semaphore_mem>>) src(%arg6 : memref<448x128xf32, #tpu.memory_space<vmem>>) dst(%dma_wait3A_117 : memref<448x128xf32, #tpu.memory_space<hbm>>)
    %dma_start3A_118 = arith.constant 2688 : i32
    %dma_start3A_119 = tpu.memref_slice %arg5[%dma_start3A_118] : memref<7168xi32, #tpu.memory_space<vmem>> -> memref<448xi32, #tpu.memory_space<vmem>>
    %dma_start3A_120 = arith.constant 0 : i32
    %dma_start3A_121 = arith.constant 0 : i32
    %dma_start3A_122 = tpu.memref_slice %arg2[%dma_start3A_120, %dma_start3A_121] : memref<1000000x128xf32, #tpu.memory_space<hbm>> -> memref<1000000x128xf32, #tpu.memory_space<hbm>>
    tpu.enqueue_indirect_dma source(%dma_start3A_122 : memref<1000000x128xf32, #tpu.memory_space<hbm>>) target(%arg6 : memref<448x128xf32, #tpu.memory_space<vmem>>) offsets(%dma_start3A_119 : memref<448xi32, #tpu.memory_space<vmem>>) semaphore(%arg8 : memref<!tpu.dma_semaphore, #tpu.memory_space<semaphore_mem>>)
    %dma_wait3A_123 = arith.constant 2240 : i32
    %dma_wait3A_124 = tpu.memref_slice %arg5[%dma_wait3A_123] : memref<7168xi32, #tpu.memory_space<vmem>> -> memref<448xi32, #tpu.memory_space<vmem>>
    %dma_wait3A_125 = arith.constant 0 : i32
    %dma_wait3A_126 = arith.constant 0 : i32
    %dma_wait3A_127 = tpu.memref_slice %arg2[%dma_wait3A_125, %dma_wait3A_126] : memref<1000000x128xf32, #tpu.memory_space<hbm>> -> memref<1000000x128xf32, #tpu.memory_space<hbm>>
    tpu.wait_indirect_dma semaphore(%arg9 : memref<!tpu.dma_semaphore, #tpu.memory_space<semaphore_mem>>) src(%dma_wait3A_127 : memref<1000000x128xf32, #tpu.memory_space<hbm>>) dst(%arg7 : memref<448x128xf32, #tpu.memory_space<vmem>>)
    %add3A_128 = arith.constant 2240 : i32
    %add3A_129 = arith.addi %mul3A_4, %add3A_128 : i32
    %dma_start3A_130 = arith.constant 0 : i32
    %dma_start3A_131 = tpu.memref_slice %arg4[%add3A_129, %dma_start3A_130] : memref<229376x128xf32, #tpu.memory_space<hbm>> -> memref<448x128xf32, #tpu.memory_space<hbm>>
    %dma_start3A_132 = arith.constant 0 : i32
    %dma_start3A_133 = tpu.memref_slice %arg4[%add3A_129, %dma_start3A_132] : memref<229376x128xf32, #tpu.memory_space<hbm>> -> memref<448x128xf32, #tpu.memory_space<hbm>>
    tpu.enqueue_dma source(%arg7 : memref<448x128xf32, #tpu.memory_space<vmem>>) target(%dma_start3A_133 : memref<448x128xf32, #tpu.memory_space<hbm>>) target_semaphore(%arg11 : memref<!tpu.dma_semaphore, #tpu.memory_space<semaphore_mem>>)
    %add3A_134 = arith.constant 2240 : i32
    %add3A_135 = arith.addi %mul3A_4, %add3A_134 : i32
    %dma_wait3A_136 = arith.constant 0 : i32
    %dma_wait3A_137 = tpu.memref_slice %arg4[%add3A_135, %dma_wait3A_136] : memref<229376x128xf32, #tpu.memory_space<hbm>> -> memref<448x128xf32, #tpu.memory_space<hbm>>
    %dma_wait3A_138 = arith.constant 0 : i32
    %dma_wait3A_139 = tpu.memref_slice %arg4[%add3A_135, %dma_wait3A_138] : memref<229376x128xf32, #tpu.memory_space<hbm>> -> memref<448x128xf32, #tpu.memory_space<hbm>>
    tpu.wait_dma2 semaphore(%arg11 : memref<!tpu.dma_semaphore, #tpu.memory_space<semaphore_mem>>) src(%arg7 : memref<448x128xf32, #tpu.memory_space<vmem>>) dst(%dma_wait3A_139 : memref<448x128xf32, #tpu.memory_space<hbm>>)
    %dma_start3A_140 = arith.constant 3136 : i32
    %dma_start3A_141 = tpu.memref_slice %arg5[%dma_start3A_140] : memref<7168xi32, #tpu.memory_space<vmem>> -> memref<448xi32, #tpu.memory_space<vmem>>
    %dma_start3A_142 = arith.constant 0 : i32
    %dma_start3A_143 = arith.constant 0 : i32
    %dma_start3A_144 = tpu.memref_slice %arg2[%dma_start3A_142, %dma_start3A_143] : memref<1000000x128xf32, #tpu.memory_space<hbm>> -> memref<1000000x128xf32, #tpu.memory_space<hbm>>
    tpu.enqueue_indirect_dma source(%dma_start3A_144 : memref<1000000x128xf32, #tpu.memory_space<hbm>>) target(%arg7 : memref<448x128xf32, #tpu.memory_space<vmem>>) offsets(%dma_start3A_141 : memref<448xi32, #tpu.memory_space<vmem>>) semaphore(%arg9 : memref<!tpu.dma_semaphore, #tpu.memory_space<semaphore_mem>>)
    %dma_wait3A_145 = arith.constant 2688 : i32
    %dma_wait3A_146 = tpu.memref_slice %arg5[%dma_wait3A_145] : memref<7168xi32, #tpu.memory_space<vmem>> -> memref<448xi32, #tpu.memory_space<vmem>>
    %dma_wait3A_147 = arith.constant 0 : i32
    %dma_wait3A_148 = arith.constant 0 : i32
    %dma_wait3A_149 = tpu.memref_slice %arg2[%dma_wait3A_147, %dma_wait3A_148] : memref<1000000x128xf32, #tpu.memory_space<hbm>> -> memref<1000000x128xf32, #tpu.memory_space<hbm>>
    tpu.wait_indirect_dma semaphore(%arg8 : memref<!tpu.dma_semaphore, #tpu.memory_space<semaphore_mem>>) src(%dma_wait3A_149 : memref<1000000x128xf32, #tpu.memory_space<hbm>>) dst(%arg6 : memref<448x128xf32, #tpu.memory_space<vmem>>)
    %add3A_150 = arith.constant 2688 : i32
    %add3A_151 = arith.addi %mul3A_4, %add3A_150 : i32
    %dma_start3A_152 = arith.constant 0 : i32
    %dma_start3A_153 = tpu.memref_slice %arg4[%add3A_151, %dma_start3A_152] : memref<229376x128xf32, #tpu.memory_space<hbm>> -> memref<448x128xf32, #tpu.memory_space<hbm>>
    %dma_start3A_154 = arith.constant 0 : i32
    %dma_start3A_155 = tpu.memref_slice %arg4[%add3A_151, %dma_start3A_154] : memref<229376x128xf32, #tpu.memory_space<hbm>> -> memref<448x128xf32, #tpu.memory_space<hbm>>
    tpu.enqueue_dma source(%arg6 : memref<448x128xf32, #tpu.memory_space<vmem>>) target(%dma_start3A_155 : memref<448x128xf32, #tpu.memory_space<hbm>>) target_semaphore(%arg10 : memref<!tpu.dma_semaphore, #tpu.memory_space<semaphore_mem>>)
    %add3A_156 = arith.constant 2688 : i32
    %add3A_157 = arith.addi %mul3A_4, %add3A_156 : i32
    %dma_wait3A_158 = arith.constant 0 : i32
    %dma_wait3A_159 = tpu.memref_slice %arg4[%add3A_157, %dma_wait3A_158] : memref<229376x128xf32, #tpu.memory_space<hbm>> -> memref<448x128xf32, #tpu.memory_space<hbm>>
    %dma_wait3A_160 = arith.constant 0 : i32
    %dma_wait3A_161 = tpu.memref_slice %arg4[%add3A_157, %dma_wait3A_160] : memref<229376x128xf32, #tpu.memory_space<hbm>> -> memref<448x128xf32, #tpu.memory_space<hbm>>
    tpu.wait_dma2 semaphore(%arg10 : memref<!tpu.dma_semaphore, #tpu.memory_space<semaphore_mem>>) src(%arg6 : memref<448x128xf32, #tpu.memory_space<vmem>>) dst(%dma_wait3A_161 : memref<448x128xf32, #tpu.memory_space<hbm>>)
    %dma_start3A_162 = arith.constant 3584 : i32
    %dma_start3A_163 = tpu.memref_slice %arg5[%dma_start3A_162] : memref<7168xi32, #tpu.memory_space<vmem>> -> memref<448xi32, #tpu.memory_space<vmem>>
    %dma_start3A_164 = arith.constant 0 : i32
    %dma_start3A_165 = arith.constant 0 : i32
    %dma_start3A_166 = tpu.memref_slice %arg2[%dma_start3A_164, %dma_start3A_165] : memref<1000000x128xf32, #tpu.memory_space<hbm>> -> memref<1000000x128xf32, #tpu.memory_space<hbm>>
    tpu.enqueue_indirect_dma source(%dma_start3A_166 : memref<1000000x128xf32, #tpu.memory_space<hbm>>) target(%arg6 : memref<448x128xf32, #tpu.memory_space<vmem>>) offsets(%dma_start3A_163 : memref<448xi32, #tpu.memory_space<vmem>>) semaphore(%arg8 : memref<!tpu.dma_semaphore, #tpu.memory_space<semaphore_mem>>)
    %dma_wait3A_167 = arith.constant 3136 : i32
    %dma_wait3A_168 = tpu.memref_slice %arg5[%dma_wait3A_167] : memref<7168xi32, #tpu.memory_space<vmem>> -> memref<448xi32, #tpu.memory_space<vmem>>
    %dma_wait3A_169 = arith.constant 0 : i32
    %dma_wait3A_170 = arith.constant 0 : i32
    %dma_wait3A_171 = tpu.memref_slice %arg2[%dma_wait3A_169, %dma_wait3A_170] : memref<1000000x128xf32, #tpu.memory_space<hbm>> -> memref<1000000x128xf32, #tpu.memory_space<hbm>>
    tpu.wait_indirect_dma semaphore(%arg9 : memref<!tpu.dma_semaphore, #tpu.memory_space<semaphore_mem>>) src(%dma_wait3A_171 : memref<1000000x128xf32, #tpu.memory_space<hbm>>) dst(%arg7 : memref<448x128xf32, #tpu.memory_space<vmem>>)
    %add3A_172 = arith.constant 3136 : i32
    %add3A_173 = arith.addi %mul3A_4, %add3A_172 : i32
    %dma_start3A_174 = arith.constant 0 : i32
    %dma_start3A_175 = tpu.memref_slice %arg4[%add3A_173, %dma_start3A_174] : memref<229376x128xf32, #tpu.memory_space<hbm>> -> memref<448x128xf32, #tpu.memory_space<hbm>>
    %dma_start3A_176 = arith.constant 0 : i32
    %dma_start3A_177 = tpu.memref_slice %arg4[%add3A_173, %dma_start3A_176] : memref<229376x128xf32, #tpu.memory_space<hbm>> -> memref<448x128xf32, #tpu.memory_space<hbm>>
    tpu.enqueue_dma source(%arg7 : memref<448x128xf32, #tpu.memory_space<vmem>>) target(%dma_start3A_177 : memref<448x128xf32, #tpu.memory_space<hbm>>) target_semaphore(%arg11 : memref<!tpu.dma_semaphore, #tpu.memory_space<semaphore_mem>>)
    %add3A_178 = arith.constant 3136 : i32
    %add3A_179 = arith.addi %mul3A_4, %add3A_178 : i32
    %dma_wait3A_180 = arith.constant 0 : i32
    %dma_wait3A_181 = tpu.memref_slice %arg4[%add3A_179, %dma_wait3A_180] : memref<229376x128xf32, #tpu.memory_space<hbm>> -> memref<448x128xf32, #tpu.memory_space<hbm>>
    %dma_wait3A_182 = arith.constant 0 : i32
    %dma_wait3A_183 = tpu.memref_slice %arg4[%add3A_179, %dma_wait3A_182] : memref<229376x128xf32, #tpu.memory_space<hbm>> -> memref<448x128xf32, #tpu.memory_space<hbm>>
    tpu.wait_dma2 semaphore(%arg11 : memref<!tpu.dma_semaphore, #tpu.memory_space<semaphore_mem>>) src(%arg7 : memref<448x128xf32, #tpu.memory_space<vmem>>) dst(%dma_wait3A_183 : memref<448x128xf32, #tpu.memory_space<hbm>>)
    %dma_start3A_184 = arith.constant 4032 : i32
    %dma_start3A_185 = tpu.memref_slice %arg5[%dma_start3A_184] : memref<7168xi32, #tpu.memory_space<vmem>> -> memref<448xi32, #tpu.memory_space<vmem>>
    %dma_start3A_186 = arith.constant 0 : i32
    %dma_start3A_187 = arith.constant 0 : i32
    %dma_start3A_188 = tpu.memref_slice %arg2[%dma_start3A_186, %dma_start3A_187] : memref<1000000x128xf32, #tpu.memory_space<hbm>> -> memref<1000000x128xf32, #tpu.memory_space<hbm>>
    tpu.enqueue_indirect_dma source(%dma_start3A_188 : memref<1000000x128xf32, #tpu.memory_space<hbm>>) target(%arg7 : memref<448x128xf32, #tpu.memory_space<vmem>>) offsets(%dma_start3A_185 : memref<448xi32, #tpu.memory_space<vmem>>) semaphore(%arg9 : memref<!tpu.dma_semaphore, #tpu.memory_space<semaphore_mem>>)
    %dma_wait3A_189 = arith.constant 3584 : i32
    %dma_wait3A_190 = tpu.memref_slice %arg5[%dma_wait3A_189] : memref<7168xi32, #tpu.memory_space<vmem>> -> memref<448xi32, #tpu.memory_space<vmem>>
    %dma_wait3A_191 = arith.constant 0 : i32
    %dma_wait3A_192 = arith.constant 0 : i32
    %dma_wait3A_193 = tpu.memref_slice %arg2[%dma_wait3A_191, %dma_wait3A_192] : memref<1000000x128xf32, #tpu.memory_space<hbm>> -> memref<1000000x128xf32, #tpu.memory_space<hbm>>
    tpu.wait_indirect_dma semaphore(%arg8 : memref<!tpu.dma_semaphore, #tpu.memory_space<semaphore_mem>>) src(%dma_wait3A_193 : memref<1000000x128xf32, #tpu.memory_space<hbm>>) dst(%arg6 : memref<448x128xf32, #tpu.memory_space<vmem>>)
    %add3A_194 = arith.constant 3584 : i32
    %add3A_195 = arith.addi %mul3A_4, %add3A_194 : i32
    %dma_start3A_196 = arith.constant 0 : i32
    %dma_start3A_197 = tpu.memref_slice %arg4[%add3A_195, %dma_start3A_196] : memref<229376x128xf32, #tpu.memory_space<hbm>> -> memref<448x128xf32, #tpu.memory_space<hbm>>
    %dma_start3A_198 = arith.constant 0 : i32
    %dma_start3A_199 = tpu.memref_slice %arg4[%add3A_195, %dma_start3A_198] : memref<229376x128xf32, #tpu.memory_space<hbm>> -> memref<448x128xf32, #tpu.memory_space<hbm>>
    tpu.enqueue_dma source(%arg6 : memref<448x128xf32, #tpu.memory_space<vmem>>) target(%dma_start3A_199 : memref<448x128xf32, #tpu.memory_space<hbm>>) target_semaphore(%arg10 : memref<!tpu.dma_semaphore, #tpu.memory_space<semaphore_mem>>)
    %add3A_200 = arith.constant 3584 : i32
    %add3A_201 = arith.addi %mul3A_4, %add3A_200 : i32
    %dma_wait3A_202 = arith.constant 0 : i32
    %dma_wait3A_203 = tpu.memref_slice %arg4[%add3A_201, %dma_wait3A_202] : memref<229376x128xf32, #tpu.memory_space<hbm>> -> memref<448x128xf32, #tpu.memory_space<hbm>>
    %dma_wait3A_204 = arith.constant 0 : i32
    %dma_wait3A_205 = tpu.memref_slice %arg4[%add3A_201, %dma_wait3A_204] : memref<229376x128xf32, #tpu.memory_space<hbm>> -> memref<448x128xf32, #tpu.memory_space<hbm>>
    tpu.wait_dma2 semaphore(%arg10 : memref<!tpu.dma_semaphore, #tpu.memory_space<semaphore_mem>>) src(%arg6 : memref<448x128xf32, #tpu.memory_space<vmem>>) dst(%dma_wait3A_205 : memref<448x128xf32, #tpu.memory_space<hbm>>)
    %dma_start3A_206 = arith.constant 4480 : i32
    %dma_start3A_207 = tpu.memref_slice %arg5[%dma_start3A_206] : memref<7168xi32, #tpu.memory_space<vmem>> -> memref<448xi32, #tpu.memory_space<vmem>>
    %dma_start3A_208 = arith.constant 0 : i32
    %dma_start3A_209 = arith.constant 0 : i32
    %dma_start3A_210 = tpu.memref_slice %arg2[%dma_start3A_208, %dma_start3A_209] : memref<1000000x128xf32, #tpu.memory_space<hbm>> -> memref<1000000x128xf32, #tpu.memory_space<hbm>>
    tpu.enqueue_indirect_dma source(%dma_start3A_210 : memref<1000000x128xf32, #tpu.memory_space<hbm>>) target(%arg6 : memref<448x128xf32, #tpu.memory_space<vmem>>) offsets(%dma_start3A_207 : memref<448xi32, #tpu.memory_space<vmem>>) semaphore(%arg8 : memref<!tpu.dma_semaphore, #tpu.memory_space<semaphore_mem>>)
    %dma_wait3A_211 = arith.constant 4032 : i32
    %dma_wait3A_212 = tpu.memref_slice %arg5[%dma_wait3A_211] : memref<7168xi32, #tpu.memory_space<vmem>> -> memref<448xi32, #tpu.memory_space<vmem>>
    %dma_wait3A_213 = arith.constant 0 : i32
    %dma_wait3A_214 = arith.constant 0 : i32
    %dma_wait3A_215 = tpu.memref_slice %arg2[%dma_wait3A_213, %dma_wait3A_214] : memref<1000000x128xf32, #tpu.memory_space<hbm>> -> memref<1000000x128xf32, #tpu.memory_space<hbm>>
    tpu.wait_indirect_dma semaphore(%arg9 : memref<!tpu.dma_semaphore, #tpu.memory_space<semaphore_mem>>) src(%dma_wait3A_215 : memref<1000000x128xf32, #tpu.memory_space<hbm>>) dst(%arg7 : memref<448x128xf32, #tpu.memory_space<vmem>>)
    %add3A_216 = arith.constant 4032 : i32
    %add3A_217 = arith.addi %mul3A_4, %add3A_216 : i32
    %dma_start3A_218 = arith.constant 0 : i32
    %dma_start3A_219 = tpu.memref_slice %arg4[%add3A_217, %dma_start3A_218] : memref<229376x128xf32, #tpu.memory_space<hbm>> -> memref<448x128xf32, #tpu.memory_space<hbm>>
    %dma_start3A_220 = arith.constant 0 : i32
    %dma_start3A_221 = tpu.memref_slice %arg4[%add3A_217, %dma_start3A_220] : memref<229376x128xf32, #tpu.memory_space<hbm>> -> memref<448x128xf32, #tpu.memory_space<hbm>>
    tpu.enqueue_dma source(%arg7 : memref<448x128xf32, #tpu.memory_space<vmem>>) target(%dma_start3A_221 : memref<448x128xf32, #tpu.memory_space<hbm>>) target_semaphore(%arg11 : memref<!tpu.dma_semaphore, #tpu.memory_space<semaphore_mem>>)
    %add3A_222 = arith.constant 4032 : i32
    %add3A_223 = arith.addi %mul3A_4, %add3A_222 : i32
    %dma_wait3A_224 = arith.constant 0 : i32
    %dma_wait3A_225 = tpu.memref_slice %arg4[%add3A_223, %dma_wait3A_224] : memref<229376x128xf32, #tpu.memory_space<hbm>> -> memref<448x128xf32, #tpu.memory_space<hbm>>
    %dma_wait3A_226 = arith.constant 0 : i32
    %dma_wait3A_227 = tpu.memref_slice %arg4[%add3A_223, %dma_wait3A_226] : memref<229376x128xf32, #tpu.memory_space<hbm>> -> memref<448x128xf32, #tpu.memory_space<hbm>>
    tpu.wait_dma2 semaphore(%arg11 : memref<!tpu.dma_semaphore, #tpu.memory_space<semaphore_mem>>) src(%arg7 : memref<448x128xf32, #tpu.memory_space<vmem>>) dst(%dma_wait3A_227 : memref<448x128xf32, #tpu.memory_space<hbm>>)
    %dma_start3A_228 = arith.constant 4928 : i32
    %dma_start3A_229 = tpu.memref_slice %arg5[%dma_start3A_228] : memref<7168xi32, #tpu.memory_space<vmem>> -> memref<448xi32, #tpu.memory_space<vmem>>
    %dma_start3A_230 = arith.constant 0 : i32
    %dma_start3A_231 = arith.constant 0 : i32
    %dma_start3A_232 = tpu.memref_slice %arg2[%dma_start3A_230, %dma_start3A_231] : memref<1000000x128xf32, #tpu.memory_space<hbm>> -> memref<1000000x128xf32, #tpu.memory_space<hbm>>
    tpu.enqueue_indirect_dma source(%dma_start3A_232 : memref<1000000x128xf32, #tpu.memory_space<hbm>>) target(%arg7 : memref<448x128xf32, #tpu.memory_space<vmem>>) offsets(%dma_start3A_229 : memref<448xi32, #tpu.memory_space<vmem>>) semaphore(%arg9 : memref<!tpu.dma_semaphore, #tpu.memory_space<semaphore_mem>>)
    %dma_wait3A_233 = arith.constant 4480 : i32
    %dma_wait3A_234 = tpu.memref_slice %arg5[%dma_wait3A_233] : memref<7168xi32, #tpu.memory_space<vmem>> -> memref<448xi32, #tpu.memory_space<vmem>>
    %dma_wait3A_235 = arith.constant 0 : i32
    %dma_wait3A_236 = arith.constant 0 : i32
    %dma_wait3A_237 = tpu.memref_slice %arg2[%dma_wait3A_235, %dma_wait3A_236] : memref<1000000x128xf32, #tpu.memory_space<hbm>> -> memref<1000000x128xf32, #tpu.memory_space<hbm>>
    tpu.wait_indirect_dma semaphore(%arg8 : memref<!tpu.dma_semaphore, #tpu.memory_space<semaphore_mem>>) src(%dma_wait3A_237 : memref<1000000x128xf32, #tpu.memory_space<hbm>>) dst(%arg6 : memref<448x128xf32, #tpu.memory_space<vmem>>)
    %add3A_238 = arith.constant 4480 : i32
    %add3A_239 = arith.addi %mul3A_4, %add3A_238 : i32
    %dma_start3A_240 = arith.constant 0 : i32
    %dma_start3A_241 = tpu.memref_slice %arg4[%add3A_239, %dma_start3A_240] : memref<229376x128xf32, #tpu.memory_space<hbm>> -> memref<448x128xf32, #tpu.memory_space<hbm>>
    %dma_start3A_242 = arith.constant 0 : i32
    %dma_start3A_243 = tpu.memref_slice %arg4[%add3A_239, %dma_start3A_242] : memref<229376x128xf32, #tpu.memory_space<hbm>> -> memref<448x128xf32, #tpu.memory_space<hbm>>
    tpu.enqueue_dma source(%arg6 : memref<448x128xf32, #tpu.memory_space<vmem>>) target(%dma_start3A_243 : memref<448x128xf32, #tpu.memory_space<hbm>>) target_semaphore(%arg10 : memref<!tpu.dma_semaphore, #tpu.memory_space<semaphore_mem>>)
    %add3A_244 = arith.constant 4480 : i32
    %add3A_245 = arith.addi %mul3A_4, %add3A_244 : i32
    %dma_wait3A_246 = arith.constant 0 : i32
    %dma_wait3A_247 = tpu.memref_slice %arg4[%add3A_245, %dma_wait3A_246] : memref<229376x128xf32, #tpu.memory_space<hbm>> -> memref<448x128xf32, #tpu.memory_space<hbm>>
    %dma_wait3A_248 = arith.constant 0 : i32
    %dma_wait3A_249 = tpu.memref_slice %arg4[%add3A_245, %dma_wait3A_248] : memref<229376x128xf32, #tpu.memory_space<hbm>> -> memref<448x128xf32, #tpu.memory_space<hbm>>
    tpu.wait_dma2 semaphore(%arg10 : memref<!tpu.dma_semaphore, #tpu.memory_space<semaphore_mem>>) src(%arg6 : memref<448x128xf32, #tpu.memory_space<vmem>>) dst(%dma_wait3A_249 : memref<448x128xf32, #tpu.memory_space<hbm>>)
    %dma_start3A_250 = arith.constant 5376 : i32
    %dma_start3A_251 = tpu.memref_slice %arg5[%dma_start3A_250] : memref<7168xi32, #tpu.memory_space<vmem>> -> memref<448xi32, #tpu.memory_space<vmem>>
    %dma_start3A_252 = arith.constant 0 : i32
    %dma_start3A_253 = arith.constant 0 : i32
    %dma_start3A_254 = tpu.memref_slice %arg2[%dma_start3A_252, %dma_start3A_253] : memref<1000000x128xf32, #tpu.memory_space<hbm>> -> memref<1000000x128xf32, #tpu.memory_space<hbm>>
    tpu.enqueue_indirect_dma source(%dma_start3A_254 : memref<1000000x128xf32, #tpu.memory_space<hbm>>) target(%arg6 : memref<448x128xf32, #tpu.memory_space<vmem>>) offsets(%dma_start3A_251 : memref<448xi32, #tpu.memory_space<vmem>>) semaphore(%arg8 : memref<!tpu.dma_semaphore, #tpu.memory_space<semaphore_mem>>)
    %dma_wait3A_255 = arith.constant 4928 : i32
    %dma_wait3A_256 = tpu.memref_slice %arg5[%dma_wait3A_255] : memref<7168xi32, #tpu.memory_space<vmem>> -> memref<448xi32, #tpu.memory_space<vmem>>
    %dma_wait3A_257 = arith.constant 0 : i32
    %dma_wait3A_258 = arith.constant 0 : i32
    %dma_wait3A_259 = tpu.memref_slice %arg2[%dma_wait3A_257, %dma_wait3A_258] : memref<1000000x128xf32, #tpu.memory_space<hbm>> -> memref<1000000x128xf32, #tpu.memory_space<hbm>>
    tpu.wait_indirect_dma semaphore(%arg9 : memref<!tpu.dma_semaphore, #tpu.memory_space<semaphore_mem>>) src(%dma_wait3A_259 : memref<1000000x128xf32, #tpu.memory_space<hbm>>) dst(%arg7 : memref<448x128xf32, #tpu.memory_space<vmem>>)
    %add3A_260 = arith.constant 4928 : i32
    %add3A_261 = arith.addi %mul3A_4, %add3A_260 : i32
    %dma_start3A_262 = arith.constant 0 : i32
    %dma_start3A_263 = tpu.memref_slice %arg4[%add3A_261, %dma_start3A_262] : memref<229376x128xf32, #tpu.memory_space<hbm>> -> memref<448x128xf32, #tpu.memory_space<hbm>>
    %dma_start3A_264 = arith.constant 0 : i32
    %dma_start3A_265 = tpu.memref_slice %arg4[%add3A_261, %dma_start3A_264] : memref<229376x128xf32, #tpu.memory_space<hbm>> -> memref<448x128xf32, #tpu.memory_space<hbm>>
    tpu.enqueue_dma source(%arg7 : memref<448x128xf32, #tpu.memory_space<vmem>>) target(%dma_start3A_265 : memref<448x128xf32, #tpu.memory_space<hbm>>) target_semaphore(%arg11 : memref<!tpu.dma_semaphore, #tpu.memory_space<semaphore_mem>>)
    %add3A_266 = arith.constant 4928 : i32
    %add3A_267 = arith.addi %mul3A_4, %add3A_266 : i32
    %dma_wait3A_268 = arith.constant 0 : i32
    %dma_wait3A_269 = tpu.memref_slice %arg4[%add3A_267, %dma_wait3A_268] : memref<229376x128xf32, #tpu.memory_space<hbm>> -> memref<448x128xf32, #tpu.memory_space<hbm>>
    %dma_wait3A_270 = arith.constant 0 : i32
    %dma_wait3A_271 = tpu.memref_slice %arg4[%add3A_267, %dma_wait3A_270] : memref<229376x128xf32, #tpu.memory_space<hbm>> -> memref<448x128xf32, #tpu.memory_space<hbm>>
    tpu.wait_dma2 semaphore(%arg11 : memref<!tpu.dma_semaphore, #tpu.memory_space<semaphore_mem>>) src(%arg7 : memref<448x128xf32, #tpu.memory_space<vmem>>) dst(%dma_wait3A_271 : memref<448x128xf32, #tpu.memory_space<hbm>>)
    %dma_start3A_272 = arith.constant 5824 : i32
    %dma_start3A_273 = tpu.memref_slice %arg5[%dma_start3A_272] : memref<7168xi32, #tpu.memory_space<vmem>> -> memref<448xi32, #tpu.memory_space<vmem>>
    %dma_start3A_274 = arith.constant 0 : i32
    %dma_start3A_275 = arith.constant 0 : i32
    %dma_start3A_276 = tpu.memref_slice %arg2[%dma_start3A_274, %dma_start3A_275] : memref<1000000x128xf32, #tpu.memory_space<hbm>> -> memref<1000000x128xf32, #tpu.memory_space<hbm>>
    tpu.enqueue_indirect_dma source(%dma_start3A_276 : memref<1000000x128xf32, #tpu.memory_space<hbm>>) target(%arg7 : memref<448x128xf32, #tpu.memory_space<vmem>>) offsets(%dma_start3A_273 : memref<448xi32, #tpu.memory_space<vmem>>) semaphore(%arg9 : memref<!tpu.dma_semaphore, #tpu.memory_space<semaphore_mem>>)
    %dma_wait3A_277 = arith.constant 5376 : i32
    %dma_wait3A_278 = tpu.memref_slice %arg5[%dma_wait3A_277] : memref<7168xi32, #tpu.memory_space<vmem>> -> memref<448xi32, #tpu.memory_space<vmem>>
    %dma_wait3A_279 = arith.constant 0 : i32
    %dma_wait3A_280 = arith.constant 0 : i32
    %dma_wait3A_281 = tpu.memref_slice %arg2[%dma_wait3A_279, %dma_wait3A_280] : memref<1000000x128xf32, #tpu.memory_space<hbm>> -> memref<1000000x128xf32, #tpu.memory_space<hbm>>
    tpu.wait_indirect_dma semaphore(%arg8 : memref<!tpu.dma_semaphore, #tpu.memory_space<semaphore_mem>>) src(%dma_wait3A_281 : memref<1000000x128xf32, #tpu.memory_space<hbm>>) dst(%arg6 : memref<448x128xf32, #tpu.memory_space<vmem>>)
    %add3A_282 = arith.constant 5376 : i32
    %add3A_283 = arith.addi %mul3A_4, %add3A_282 : i32
    %dma_start3A_284 = arith.constant 0 : i32
    %dma_start3A_285 = tpu.memref_slice %arg4[%add3A_283, %dma_start3A_284] : memref<229376x128xf32, #tpu.memory_space<hbm>> -> memref<448x128xf32, #tpu.memory_space<hbm>>
    %dma_start3A_286 = arith.constant 0 : i32
    %dma_start3A_287 = tpu.memref_slice %arg4[%add3A_283, %dma_start3A_286] : memref<229376x128xf32, #tpu.memory_space<hbm>> -> memref<448x128xf32, #tpu.memory_space<hbm>>
    tpu.enqueue_dma source(%arg6 : memref<448x128xf32, #tpu.memory_space<vmem>>) target(%dma_start3A_287 : memref<448x128xf32, #tpu.memory_space<hbm>>) target_semaphore(%arg10 : memref<!tpu.dma_semaphore, #tpu.memory_space<semaphore_mem>>)
    %add3A_288 = arith.constant 5376 : i32
    %add3A_289 = arith.addi %mul3A_4, %add3A_288 : i32
    %dma_wait3A_290 = arith.constant 0 : i32
    %dma_wait3A_291 = tpu.memref_slice %arg4[%add3A_289, %dma_wait3A_290] : memref<229376x128xf32, #tpu.memory_space<hbm>> -> memref<448x128xf32, #tpu.memory_space<hbm>>
    %dma_wait3A_292 = arith.constant 0 : i32
    %dma_wait3A_293 = tpu.memref_slice %arg4[%add3A_289, %dma_wait3A_292] : memref<229376x128xf32, #tpu.memory_space<hbm>> -> memref<448x128xf32, #tpu.memory_space<hbm>>
    tpu.wait_dma2 semaphore(%arg10 : memref<!tpu.dma_semaphore, #tpu.memory_space<semaphore_mem>>) src(%arg6 : memref<448x128xf32, #tpu.memory_space<vmem>>) dst(%dma_wait3A_293 : memref<448x128xf32, #tpu.memory_space<hbm>>)
    %dma_start3A_294 = arith.constant 6272 : i32
    %dma_start3A_295 = tpu.memref_slice %arg5[%dma_start3A_294] : memref<7168xi32, #tpu.memory_space<vmem>> -> memref<448xi32, #tpu.memory_space<vmem>>
    %dma_start3A_296 = arith.constant 0 : i32
    %dma_start3A_297 = arith.constant 0 : i32
    %dma_start3A_298 = tpu.memref_slice %arg2[%dma_start3A_296, %dma_start3A_297] : memref<1000000x128xf32, #tpu.memory_space<hbm>> -> memref<1000000x128xf32, #tpu.memory_space<hbm>>
    tpu.enqueue_indirect_dma source(%dma_start3A_298 : memref<1000000x128xf32, #tpu.memory_space<hbm>>) target(%arg6 : memref<448x128xf32, #tpu.memory_space<vmem>>) offsets(%dma_start3A_295 : memref<448xi32, #tpu.memory_space<vmem>>) semaphore(%arg8 : memref<!tpu.dma_semaphore, #tpu.memory_space<semaphore_mem>>)
    %dma_wait3A_299 = arith.constant 5824 : i32
    %dma_wait3A_300 = tpu.memref_slice %arg5[%dma_wait3A_299] : memref<7168xi32, #tpu.memory_space<vmem>> -> memref<448xi32, #tpu.memory_space<vmem>>
    %dma_wait3A_301 = arith.constant 0 : i32
    %dma_wait3A_302 = arith.constant 0 : i32
    %dma_wait3A_303 = tpu.memref_slice %arg2[%dma_wait3A_301, %dma_wait3A_302] : memref<1000000x128xf32, #tpu.memory_space<hbm>> -> memref<1000000x128xf32, #tpu.memory_space<hbm>>
    tpu.wait_indirect_dma semaphore(%arg9 : memref<!tpu.dma_semaphore, #tpu.memory_space<semaphore_mem>>) src(%dma_wait3A_303 : memref<1000000x128xf32, #tpu.memory_space<hbm>>) dst(%arg7 : memref<448x128xf32, #tpu.memory_space<vmem>>)
    %add3A_304 = arith.constant 5824 : i32
    %add3A_305 = arith.addi %mul3A_4, %add3A_304 : i32
    %dma_start3A_306 = arith.constant 0 : i32
    %dma_start3A_307 = tpu.memref_slice %arg4[%add3A_305, %dma_start3A_306] : memref<229376x128xf32, #tpu.memory_space<hbm>> -> memref<448x128xf32, #tpu.memory_space<hbm>>
    %dma_start3A_308 = arith.constant 0 : i32
    %dma_start3A_309 = tpu.memref_slice %arg4[%add3A_305, %dma_start3A_308] : memref<229376x128xf32, #tpu.memory_space<hbm>> -> memref<448x128xf32, #tpu.memory_space<hbm>>
    tpu.enqueue_dma source(%arg7 : memref<448x128xf32, #tpu.memory_space<vmem>>) target(%dma_start3A_309 : memref<448x128xf32, #tpu.memory_space<hbm>>) target_semaphore(%arg11 : memref<!tpu.dma_semaphore, #tpu.memory_space<semaphore_mem>>)
    %add3A_310 = arith.constant 5824 : i32
    %add3A_311 = arith.addi %mul3A_4, %add3A_310 : i32
    %dma_wait3A_312 = arith.constant 0 : i32
    %dma_wait3A_313 = tpu.memref_slice %arg4[%add3A_311, %dma_wait3A_312] : memref<229376x128xf32, #tpu.memory_space<hbm>> -> memref<448x128xf32, #tpu.memory_space<hbm>>
    %dma_wait3A_314 = arith.constant 0 : i32
    %dma_wait3A_315 = tpu.memref_slice %arg4[%add3A_311, %dma_wait3A_314] : memref<229376x128xf32, #tpu.memory_space<hbm>> -> memref<448x128xf32, #tpu.memory_space<hbm>>
    tpu.wait_dma2 semaphore(%arg11 : memref<!tpu.dma_semaphore, #tpu.memory_space<semaphore_mem>>) src(%arg7 : memref<448x128xf32, #tpu.memory_space<vmem>>) dst(%dma_wait3A_315 : memref<448x128xf32, #tpu.memory_space<hbm>>)
    %dma_start3A_316 = arith.constant 6720 : i32
    %dma_start3A_317 = tpu.memref_slice %arg5[%dma_start3A_316] : memref<7168xi32, #tpu.memory_space<vmem>> -> memref<448xi32, #tpu.memory_space<vmem>>
    %dma_start3A_318 = arith.constant 0 : i32
    %dma_start3A_319 = arith.constant 0 : i32
    %dma_start3A_320 = tpu.memref_slice %arg2[%dma_start3A_318, %dma_start3A_319] : memref<1000000x128xf32, #tpu.memory_space<hbm>> -> memref<1000000x128xf32, #tpu.memory_space<hbm>>
    tpu.enqueue_indirect_dma source(%dma_start3A_320 : memref<1000000x128xf32, #tpu.memory_space<hbm>>) target(%arg7 : memref<448x128xf32, #tpu.memory_space<vmem>>) offsets(%dma_start3A_317 : memref<448xi32, #tpu.memory_space<vmem>>) semaphore(%arg9 : memref<!tpu.dma_semaphore, #tpu.memory_space<semaphore_mem>>)
    %dma_wait3A_321 = arith.constant 6272 : i32
    %dma_wait3A_322 = tpu.memref_slice %arg5[%dma_wait3A_321] : memref<7168xi32, #tpu.memory_space<vmem>> -> memref<448xi32, #tpu.memory_space<vmem>>
    %dma_wait3A_323 = arith.constant 0 : i32
    %dma_wait3A_324 = arith.constant 0 : i32
    %dma_wait3A_325 = tpu.memref_slice %arg2[%dma_wait3A_323, %dma_wait3A_324] : memref<1000000x128xf32, #tpu.memory_space<hbm>> -> memref<1000000x128xf32, #tpu.memory_space<hbm>>
    tpu.wait_indirect_dma semaphore(%arg8 : memref<!tpu.dma_semaphore, #tpu.memory_space<semaphore_mem>>) src(%dma_wait3A_325 : memref<1000000x128xf32, #tpu.memory_space<hbm>>) dst(%arg6 : memref<448x128xf32, #tpu.memory_space<vmem>>)
    %add3A_326 = arith.constant 6272 : i32
    %add3A_327 = arith.addi %mul3A_4, %add3A_326 : i32
    %dma_start3A_328 = arith.constant 0 : i32
    %dma_start3A_329 = tpu.memref_slice %arg4[%add3A_327, %dma_start3A_328] : memref<229376x128xf32, #tpu.memory_space<hbm>> -> memref<448x128xf32, #tpu.memory_space<hbm>>
    %dma_start3A_330 = arith.constant 0 : i32
    %dma_start3A_331 = tpu.memref_slice %arg4[%add3A_327, %dma_start3A_330] : memref<229376x128xf32, #tpu.memory_space<hbm>> -> memref<448x128xf32, #tpu.memory_space<hbm>>
    tpu.enqueue_dma source(%arg6 : memref<448x128xf32, #tpu.memory_space<vmem>>) target(%dma_start3A_331 : memref<448x128xf32, #tpu.memory_space<hbm>>) target_semaphore(%arg10 : memref<!tpu.dma_semaphore, #tpu.memory_space<semaphore_mem>>)
    %dma_wait3A_332 = arith.constant 6720 : i32
    %dma_wait3A_333 = tpu.memref_slice %arg5[%dma_wait3A_332] : memref<7168xi32, #tpu.memory_space<vmem>> -> memref<448xi32, #tpu.memory_space<vmem>>
    %dma_wait3A_334 = arith.constant 0 : i32
    %dma_wait3A_335 = arith.constant 0 : i32
    %dma_wait3A_336 = tpu.memref_slice %arg2[%dma_wait3A_334, %dma_wait3A_335] : memref<1000000x128xf32, #tpu.memory_space<hbm>> -> memref<1000000x128xf32, #tpu.memory_space<hbm>>
    tpu.wait_indirect_dma semaphore(%arg9 : memref<!tpu.dma_semaphore, #tpu.memory_space<semaphore_mem>>) src(%dma_wait3A_336 : memref<1000000x128xf32, #tpu.memory_space<hbm>>) dst(%arg7 : memref<448x128xf32, #tpu.memory_space<vmem>>)
    %add3A_337 = arith.constant 6720 : i32
    %add3A_338 = arith.addi %mul3A_4, %add3A_337 : i32
    %dma_start3A_339 = arith.constant 0 : i32
    %dma_start3A_340 = tpu.memref_slice %arg4[%add3A_338, %dma_start3A_339] : memref<229376x128xf32, #tpu.memory_space<hbm>> -> memref<448x128xf32, #tpu.memory_space<hbm>>
    %dma_start3A_341 = arith.constant 0 : i32
    %dma_start3A_342 = tpu.memref_slice %arg4[%add3A_338, %dma_start3A_341] : memref<229376x128xf32, #tpu.memory_space<hbm>> -> memref<448x128xf32, #tpu.memory_space<hbm>>
    tpu.enqueue_dma source(%arg7 : memref<448x128xf32, #tpu.memory_space<vmem>>) target(%dma_start3A_342 : memref<448x128xf32, #tpu.memory_space<hbm>>) target_semaphore(%arg11 : memref<!tpu.dma_semaphore, #tpu.memory_space<semaphore_mem>>)
    %add3A_343 = arith.constant 6272 : i32
    %add3A_344 = arith.addi %mul3A_4, %add3A_343 : i32
    %dma_wait3A_345 = arith.constant 0 : i32
    %dma_wait3A_346 = tpu.memref_slice %arg4[%add3A_344, %dma_wait3A_345] : memref<229376x128xf32, #tpu.memory_space<hbm>> -> memref<448x128xf32, #tpu.memory_space<hbm>>
    %dma_wait3A_347 = arith.constant 0 : i32
    %dma_wait3A_348 = tpu.memref_slice %arg4[%add3A_344, %dma_wait3A_347] : memref<229376x128xf32, #tpu.memory_space<hbm>> -> memref<448x128xf32, #tpu.memory_space<hbm>>
    tpu.wait_dma2 semaphore(%arg10 : memref<!tpu.dma_semaphore, #tpu.memory_space<semaphore_mem>>) src(%arg6 : memref<448x128xf32, #tpu.memory_space<vmem>>) dst(%dma_wait3A_348 : memref<448x128xf32, #tpu.memory_space<hbm>>)
    %add3A_349 = arith.constant 6720 : i32
    %add3A_350 = arith.addi %mul3A_4, %add3A_349 : i32
    %dma_wait3A_351 = arith.constant 0 : i32
    %dma_wait3A_352 = tpu.memref_slice %arg4[%add3A_350, %dma_wait3A_351] : memref<229376x128xf32, #tpu.memory_space<hbm>> -> memref<448x128xf32, #tpu.memory_space<hbm>>
    %dma_wait3A_353 = arith.constant 0 : i32
    %dma_wait3A_354 = tpu.memref_slice %arg4[%add3A_350, %dma_wait3A_353] : memref<229376x128xf32, #tpu.memory_space<hbm>> -> memref<448x128xf32, #tpu.memory_space<hbm>>
    tpu.wait_dma2 semaphore(%arg11 : memref<!tpu.dma_semaphore, #tpu.memory_space<semaphore_mem>>) src(%arg7 : memref<448x128xf32, #tpu.memory_space<vmem>>) dst(%dma_wait3A_354 : memref<448x128xf32, #tpu.memory_space<hbm>>)
    return
  }
}

</mosaic_0001>

<sc_bundles>
// kernel: kernel.3.cloned.1.call-start
scs
__scs_entry_jumppad:
0x0: {  	(pc) =	sbr.rel $0x88, $3  }
0x1: {  	(tag) =	ssettag $0x0;
	lr =	simm.s32 $0x1  }
0x2: {  	[smem:$0x3F9F] =	sst lr;
	_ =	strace $0xD0000000  }
0x3: {  	_ = 	snop  }
0x4: {  	_ = 	snop  }
0x5: {  	_ = 	snop  }
0x6: {  	_ = 	snop  }
0x7: {  	_ = 	snop  }
__scs_overlays_trampoline_lowered:
0x8: {  	[smem:$0x3FAE] =	sst s0  }
0x9: {  	[smem:$0x3FAF] =	sst s1  }
0xa: {  	[smem:$0x3FB0] =	sst s2  }
0xb: {  	[smem:$0x3FB1] =	sst s3  }
0xc: {  	[smem:$0x3FB2] =	sst s4  }
0xd: {  	[smem:$0x3FB3] =	sst s5  }
0xe: {  	[smem:$0x3FB4] =	sst s6  }
0xf: {  	[smem:$0x3FB5] =	sst s7  }
0x10: {  	[smem:$0x3FB6] =	sst s8  }
0x11: {  	[smem:$0x3FB7] =	sst s9;
	s0 =	simm.s32 @!p0 $0x0  }
0x12: {  	s1 =	sld [smem:$0x3F9D];
	s0 =	simm.s32 @p0 $0x1  }
0x13: {  	[smem:$0x3FB8] =	sst s0;
	s0 =	simm.s32 @!p1 $0x0  }
0x14: {  	s2 =	sld [smem:$0x3F9C];
	s0 =	simm.s32 @p1 $0x1  }
0x15: {  	[smem:$0x3FB9] =	sst s0;
	s0 =	simm.s32 @!p2 $0x0  }
0x16: {  	s3 =	sld [smem:$0x3FDB];
	s0 =	simm.s32 @p2 $0x1  }
0x17: {  	s4 =	simm.s32 $0x1BF5;
	[smem:$0x3FBB] =	sst s0  }
0x18: {  	s0 =	sld [smem:$0x3F9E];
	_ =	swait.ge [sflag:s4], $0x0  }
0x19: {  	s7 =	sld [smem:$0x3F9F]  }
0x1a: {  	s8 =	sadd.s32 $0xFFFFE003, lr  }
0x1b: {  	s9 =	sadd.s32 $0xFFFFFEF7, lr;
	s5 =	simm.s32 $0xFFFFFFFF;
	p2 =	slt.u32 s8, $0xFFFFF086  }
0x1c: {  	p1 =	slt.u32 s9, $0xF7A;
	s5 =	simm.s32 @!p2 $0x0  }
0x1d: {  	s5 =	simm.s32 @p1 $0x1;
	p0 =	seq.s32 s7, s2  }
0x1e: {  	s7 =	smul.u32 @!p0 $0xF7A, s2;
	p2 =	seq.s32 @!p0 s5, $0x0  }
0x1f: {  	s9 =	smul.u32 $0xF7A, s1;
	s8 =	simm.s32 @!p0 $0x1BF5;
	p2 =	por !p2, p0  }
0x20: {  	[sflag:s8] =	ssyncset.s32 @!p0 $0xFFFFF086;
	s6 =	sadd.s32 @!p0 s3, s7;
	s7 =	simm.s32 @!p0 $0x108  }
0x21: {  	s3 =	sadd.s32 s3, s9;
	s6 =	sadd.s32 @!p0 $0x88, s6;
	s7 =	simm.s32 @p2 $0x1082  }
0x22: {  	[simem:s7], [sflag:s8] =	dma.local @!p0 [hbm:s6], $0xF7A  }
0x23: {  	s9 =	sor.u32 $0xD0000000, s2;
	s6 =	simm.s32 $0x108;
	_ =	swait.ge @!p0 [sflag:s8], $0x0  }
0x24: {  	s3 =	sadd.s32 $0x88, s3;
	s6 =	simm.s32 @!p1 $0x1082;
	[sflag:s4] =	ssyncset.s32 $0xFFFFF086  }
0x25: {  	[simem:s6], [sflag:s4] =	dma.local [hbm:s3], $0xF7A  }
0x26: {  	[smem:$0x3F9F] =	sst s1;
	(tag) =	ssettag s2;
	_ =	strace s9  }
0x27: {  	s1 =	sld [smem:$0x3FAF]  }
0x28: {  	s2 =	sld [smem:$0x3FB0]  }
0x29: {  	s4 =	sld [smem:$0x3FB2]  }
0x2a: {  	p0 =	seq.s32 s5, $0x0;
	s5 =	sld [smem:$0x3FB3]  }
0x2b: {  	s6 =	sld [smem:$0x3FB4]  }
0x2c: {  	s7 =	sld [smem:$0x3FB5]  }
0x2d: {  	s3 =	simm.s32 $0x108;
	s8 =	sld [smem:$0x3FB6]  }
0x2e: {  	s3 =	simm.s32 @!p0 $0x1082;
	s9 =	sld [smem:$0x3FB7]  }
0x2f: {  	lr =	sadd.s32 s0, s3;
	s0 =	sld [smem:$0x3FAE]  }
0x30: {  	s3 =	sld [smem:$0x3FB1]  }
0x31: {  	[smem:$0x3FBA] =	sst s10  }
0x32: {  	s10 =	sld [smem:$0x3FB8];
	_ =	sdelay $0x3  }
0x33: {  	p0 =	seq.s32 s10, $0x1;
	s10 =	sld [smem:$0x3FBA];
	_ =	sdelay $0x3  }
0x34: {  	[smem:$0x3FBA] =	sst s10  }
0x35: {  	s10 =	sld [smem:$0x3FB9];
	_ =	sdelay $0x3  }
0x36: {  	p1 =	seq.s32 s10, $0x1;
	s10 =	sld [smem:$0x3FBA];
	_ =	sdelay $0x3  }
0x37: {  	[smem:$0x3FBA] =	sst s10  }
0x38: {  	s10 =	sld [smem:$0x3FBB]  }
0x39: {  	_ = 	snop;
	(pc) =	sbr.ind lr, $3  }
0x3a: {  	_ = 	snop  }
0x3b: {  	_ = 	snop  }
0x3c: {  	p2 =	seq.s32 s10, $0x1;
	s10 =	sld [smem:$0x3FBA]  }
0x3d: {  	_ =	shalt  }
0x3e: {  	_ =	shalt  }
0x3f: {  	_ =	shalt  }
0x40: {  	_ =	shalt  }
0x41: {  	_ =	shalt  }
0x42: {  	_ =	shalt  }
0x43: {  	_ =	shalt  }
0x44: {  	_ =	shalt  }
0x45: {  	_ =	shalt  }
0x46: {  	_ =	shalt  }
0x47: {  	_ =	shalt  }
0x48: {  	_ =	shalt  }
0x49: {  	_ =	shalt  }
0x4a: {  	_ =	shalt  }
0x4b: {  	_ =	shalt  }
0x4c: {  	_ =	shalt  }
0x4d: {  	_ =	shalt  }
0x4e: {  	_ =	shalt  }
0x4f: {  	_ =	shalt  }
0x50: {  	_ =	shalt  }
0x51: {  	_ =	shalt  }
0x52: {  	_ =	shalt  }
0x53: {  	_ =	shalt  }
0x54: {  	_ =	shalt  }
0x55: {  	_ =	shalt  }
0x56: {  	_ =	shalt  }
0x57: {  	_ =	shalt  }
0x58: {  	_ =	shalt  }
0x59: {  	_ =	shalt  }
0x5a: {  	_ =	shalt  }
0x5b: {  	_ =	shalt  }
0x5c: {  	_ =	shalt  }
0x5d: {  	_ =	shalt  }
0x5e: {  	_ =	shalt  }
0x5f: {  	_ =	shalt  }
0x60: {  	_ =	shalt  }
0x61: {  	_ =	shalt  }
0x62: {  	_ =	shalt  }
0x63: {  	_ =	shalt  }
0x64: {  	_ =	shalt  }
0x65: {  	_ =	shalt  }
0x66: {  	_ =	shalt  }
0x67: {  	_ =	shalt  }
0x68: {  	_ =	shalt  }
0x69: {  	_ =	shalt  }
0x6a: {  	_ =	shalt  }
0x6b: {  	_ =	shalt  }
0x6c: {  	_ =	shalt  }
0x6d: {  	_ =	shalt  }
0x6e: {  	_ =	shalt  }
0x6f: {  	_ =	shalt  }
0x70: {  	_ =	shalt  }
0x71: {  	_ =	shalt  }
0x72: {  	_ =	shalt  }
0x73: {  	_ =	shalt  }
0x74: {  	_ =	shalt  }
0x75: {  	_ =	shalt  }
0x76: {  	_ =	shalt  }
0x77: {  	_ =	shalt  }
0x78: {  	_ =	shalt  }
0x79: {  	_ =	shalt  }
0x7a: {  	_ =	shalt  }
0x7b: {  	_ =	shalt  }
0x7c: {  	_ =	shalt  }
0x7d: {  	_ =	shalt  }
0x7e: {  	_ =	shalt  }
0x7f: {  	_ =	shalt  }
0x80: {  	_ =	shalt  }
0x81: {  	_ =	shalt  }
0x82: {  	_ =	shalt  }
0x83: {  	_ =	shalt  }
0x84: {  	_ =	shalt  }
0x85: {  	_ =	shalt  }
0x86: {  	_ =	shalt  }
0x87: {  	_ =	shalt  }
.Lfunc_end0:
.L_simem_size_0:
called_computation.1_lowered:
.L_overlay_start_0:
0x88: {  	s2 =	sld [smem:$0x3FD9]  }
0x89: {  	s3 =	sld [smem:$0x3FFE];
	_ =	sdelay $0x1  }
0x8a: {  	s1 =	srdreg.scid  }
0x8b: {  	s0 =	sand.u32 $0x1, s1  }
0x8c: {  	s17 =	sshll.u32 s0, $0xA;
	s2 =	sadd.s32 s3, s2  }
0x8d: {  	s2 =	sadd.s32 s2, s17  }
0x8e: {  	[smem:$0x3FC6] =	sst s2  }
0x8f: {  	_ = 	snop  }
0x90: {  	s2 =	sld [smem:$0x3FD0];
	(tm) =	ssettm $0x1  }
0x91: {  	s18 =	sld [smem:$0x3FFB];
	_ =	sdelay $0x3  }
0x92: {  	_ =	strace s18  }
0x93: {  	s3 =	sld [smem:$0x3FFC];
	_ =	sdelay $0x3  }
0x94: {  	_ =	strace s3  }
0x95: {  	s3 =	sld [smem:$0x3FFD];
	_ =	sdelay $0x3  }
0x96: {  	_ =	strace s3  }
0x97: {  	_ =	strace $0x8FFFFFFF  }
0x98: {  	s19 =	sld [smem:$0x3FDB];
	_ =	sdelay $0x1  }
0x99: {  	s4 =	simm.s32 $_scs_section_size  }
0x9a: {  	s5 =	simm.s32 $_size__tile_overlayer_lowered;
	s6 =	simm.s32 $_tile_overlayer_lowered  }
0x9b: {  	s22 =	simm.s32 $0x1BFF;
	s21 =	sshll.u32 s6, $0x1;
	s3 =	sadd.s32 s4, s19  }
0x9c: {  	s7 =	simm.s32 $0x0;
	s20 =	sshll.u32 s5, $0x1;
	s5 =	sadd.s32 s21, s3  }
0x9d: {  	[timem:s7], [sflag:s22] =	dma.local [hbm:s5], s20  }
0x9e: {  	_ =	swait.ge [sflag:s22], s20  }
0x9f: {  	s4 =	ssub.s32 $0x0, s20;
	[sflag:s22] =	ssyncset.done $0x0  }
0xa0: {  	[sflag:s22] =	ssyncadd.s32 s4;
	_ =	sdelay $0x1  }
0xa1: {  	s23 =	simm.s32 $0x1B8B  }
0xa2: {  	_ =	swait.ge [sflag:s23], $0x1  }
0xa3: {  	[sflag:s23] =	ssyncset.done $0x0  }
0xa4: {  	s25 =	simm.s32 $0x1B8E;
	s24 =	sld [smem:$0x3FFE];
	[sflag:s23] =	ssyncadd.s32 $0xFFFFFFFF  }
0xa5: {  	s26 =	simm.s32 $execute0_lowered;
	[smem:$0x3FD2] =	sst s25  }
0xa6: {  	s5 =	sshll.u32 s26, $0x1;
	_ =	strace $0x80000046;
	[dreg:$0x1] =	wrdreg $0xFFFFFFFF  }
0xa7: {  	s28 =	simm.s32 $_size_execute0_lowered;
	s3 =	sadd.s32 s3, s5;
	[dreg:$0x0] =	wrdreg $0x0  }
0xa8: {  	s5 =	sshll.u32 s28, $0x1;
	[dreg:$0x2] =	wrdreg s3  }
0xa9: {  	[dreg:$0x3] =	wrdreg s5  }
0xaa: {  	[dreg:$0x4] =	wrdreg $0xC0  }
0xab: {  	_ =	task [dreg:s7], $0x5FFFF  }
0xac: {  	[dreg:$0x1] =	wrdreg $0xFFFFFFFF  }
0xad: {  	[dreg:$0x0] =	wrdreg $0x60  }
0xae: {  	[dreg:$0x2] =	wrdreg s24  }
0xaf: {  	[dreg:$0x3] =	wrdreg s2  }
0xb0: {  	[dreg:$0x4] =	wrdreg $0x9  }
0xb1: {  	_ =	task.clear_ibuf [dreg:s7], $0x5FFFF;
	_ =	strace $0x90000046  }
0xb2: {  	s29 =	simm.s32 $0x9;
	_ =	strace $0x80000048  }
0xb3: {  	_ =	swait.ge [sflag:s29], $0x1  }
0xb4: {  	[sflag:s29] =	ssyncadd.s32 $0xFFFFFFFF  }
0xb5: {  	_ =	strace $0x90000048  }
0xb6: {  	_ =	sfence  }
0xb7: {  	s30 =	sld [smem:$0x0];
	_ =	sdelay $0x2  }
0xb8: {  	s31 =	sshll.u32 s1, $0xD;
	s1 =	sshrl.u32 s1, $0x2  }
0xb9: {  	s3 =	sand.u32 $0x4000, s31;
	s1 =	sadd.s32 s1, s30  }
0xba: {  	s0 =	sor.u32 s3, s0;
	s1 =	sshll.u32 s1, $0x11  }
0xbb: {  	s0 =	sor.u32 s1, s0  }
0xbc: {  	s0 =	sadd.s32 $0x8F2B, s0  }
0xbd: {  	[sflag:s0] =	ssyncadd.remote.s32 $0x1  }
0xbe: {  	_ =	sfence.sel $0xFFFF  }
0xbf: {  	[dreg:$0x0] =	wrdreg $0xFFFFFFFF;
	(pc) =	sbr.abs _section_cstart, $3  }
0xc0: {  	[dreg:$0x1] =	wrdreg $0xFFFFFFFF  }
0xc1: {  	_ =	task.clear_ibuf [dreg:s7], $0x2FFFF;
	_ =	strace $0x9FFFFFFF  }
0xc2: {  	(tm) =	ssettm $0x7FFFFFFF  }
0xc3: {  	_ =	shalt  }
tec
execute0_lowered:
.L_overlay_start_1:
0x0: {  	(tag) =	ssettag $0x1  }
0x1: {  	s1 =	srdreg.scid;
	s0 =	stileid.u32  }
0x2: {  	s1 =	sand.u32 $0x1, s1;
	s2 =	sshll.u32 s0, $0x1  }
0x3: {  	s3 =	sor.u32 s1, s2  }
0x4: {  	s5 =	rddreg [dreg:$0x0];
	s6 =	smul.u32 $0x380, s3  }
0x5: {  	s4 =	rddreg [dreg:$0x1];
	s2 =	simm.s32 $0x0;
	s7 =	smul.u32 $0x1C000, s3  }
0x6: {  	s8 =	sadd.s32 $0xA00, s5;
	[smem:$0x7FF] =	sst s2  }
0x7: {  	s9 =	smul.u32 $0xE0000, s3;
	s4 =	sadd.s32 s4, s6;
	s3 =	sadd.s32 s8, s7  }
0x8: {  	_ =	strace $0x80000047;
	[dreg:$0x3] =	wrdreg s4;
	s14 =	sadd.s32 $0x1C00, s3  }
0x9: {  	s15 =	sshrl.u32 s9, $0x3;
	s16 =	sadd.s32 $0x3800, s3;
	[dreg:$0x4] =	wrdreg s14  }
0xa: {  	s31 =	sadd.s32 s8, s15;
	[dreg:$0x5] =	wrdreg s16  }
0xb: {  	s17 =	sadd.s32 $0x5400, s31;
	s25 =	rddreg [dreg:$0x3]  }
0xc: {  	s18 =	sadd.s32 $0x7000, s31;
	[dreg:$0x6] =	wrdreg s17  }
0xd: {  	s19 =	sadd.s32 $0x8C00, s31;
	[dreg:$0x7] =	wrdreg s18  }
0xe: {  	s20 =	sadd.s32 $0xA800, s31;
	[dreg:$0x8] =	wrdreg s19  }
0xf: {  	s21 =	sadd.s32 $0xC400, s31;
	[dreg:$0x9] =	wrdreg s20  }
0x10: {  	s22 =	sadd.s32 $0xE000, s31;
	[dreg:$0xa] =	wrdreg s21  }
0x11: {  	s23 =	sadd.s32 $0xFC00, s31;
	[dreg:$0xb] =	wrdreg s22  }
0x12: {  	s24 =	sadd.s32 $0x11800, s31;
	[dreg:$0xc] =	wrdreg s23  }
0x13: {  	s26 =	sadd.s32 $0x13400, s31;
	[dreg:$0xd] =	wrdreg s24  }
0x14: {  	s4 =	simm.s32 $0x5;
	[dreg:$0xe] =	wrdreg s26  }
0x15: {  	[tilespmem:s2], [sflag:$0x5] =	stream.linear.gather [hbm4b:s25+s2], $0x1C00, $0x38;
	[tilespmem:$0x1DC00] =	vst v63  }
0x16: {  	_ =	swait.ge [sflag:s4], $0x1C00  }
0x17: {  	s5 =	sadd.s32 $0xF42E00, s5;
	[sflag:s4] =	ssyncset.done $0x0  }
0x18: {  	s6 =	simm.s32 $0x1C0;
	s7 =	simm.s32 $0x1C00;
	[sflag:s4] =	ssyncadd.s32 $0xFFFFE400  }
0x19: {  	[tilespmem:s7], [sflag:$0x1] =	stream.indirect.gather [hbm4b:s5+s6], $0x80, s2, s6, $0xb8;
	[tilespmem:$0x1DC00] =	vst v63  }
0x1a: {  	s9 =	simm.s32 $0x1;
	s8 =	simm.s32 $0xFC00  }
0x1b: {  	[tilespmem:s8], [sflag:$0x2] =	stream.indirect.gather [hbm4b:s5+s6], $0x80, s6, s6, $0xb8;
	[tilespmem:$0x1DC00] =	vst v63  }
0x1c: {  	_ =	swait.ge [sflag:s9], $0xE000  }
0x1d: {  	[sflag:s9] =	ssyncset.done $0x0  }
0x1e: {  	s10 =	simm.s32 $0x3;
	[sflag:s9] =	ssyncadd.s32 $0xFFFF2000  }
0x1f: {  	[hbm4b:s3+s2] =	stream.linear.scatter [tilespmem:s7], [sflag:$0x3], $0xE000, $0x38;
	[tilespmem:$0x1DC00] =	vst v63  }
0x20: {  	_ =	swait.ge [sflag:s10], $0xE000  }
0x21: {  	[sflag:s10] =	ssyncset.done $0x0  }
0x22: {  	s11 =	simm.s32 $0x380;
	s12 =	simm.s32 $0x2;
	[sflag:s10] =	ssyncadd.s32 $0xFFFF2000  }
0x23: {  	[tilespmem:s7], [sflag:$0x1] =	stream.indirect.gather [hbm4b:s5+s6], $0x80, s11, s6, $0xb8;
	[tilespmem:$0x1DC00] =	vst v63  }
0x24: {  	_ =	swait.ge [sflag:s12], $0xE000  }
0x25: {  	[sflag:s12] =	ssyncset.done $0x0  }
0x26: {  	s13 =	simm.s32 $0x4;
	s14 =	rddreg [dreg:$0x4];
	[sflag:s12] =	ssyncadd.s32 $0xFFFF2000  }
0x27: {  	[hbm4b:s14+s2] =	stream.linear.scatter [tilespmem:s8], [sflag:$0x4], $0xE000, $0x38;
	[tilespmem:$0x1DC00] =	vst v63  }
0x28: {  	_ =	swait.ge [sflag:s13], $0xE000  }
0x29: {  	[sflag:s13] =	ssyncset.done $0x0  }
0x2a: {  	s14 =	simm.s32 $0x540;
	[sflag:s13] =	ssyncadd.s32 $0xFFFF2000  }
0x2b: {  	[tilespmem:s8], [sflag:$0x2] =	stream.indirect.gather [hbm4b:s5+s6], $0x80, s14, s6, $0xb8;
	[tilespmem:$0x1DC00] =	vst v63  }
0x2c: {  	_ =	swait.ge [sflag:s9], $0xE000  }
0x2d: {  	[sflag:s9] =	ssyncset.done $0x0  }
0x2e: {  	s15 =	rddreg [dreg:$0x5];
	[sflag:s9] =	ssyncadd.s32 $0xFFFF2000  }
0x2f: {  	[hbm4b:s15+s2] =	stream.linear.scatter [tilespmem:s7], [sflag:$0x3], $0xE000, $0x38;
	[tilespmem:$0x1DC00] =	vst v63  }
0x30: {  	_ =	swait.ge [sflag:s10], $0xE000  }
0x31: {  	[sflag:s10] =	ssyncset.done $0x0  }
0x32: {  	s15 =	simm.s32 $0x700;
	[sflag:s10] =	ssyncadd.s32 $0xFFFF2000  }
0x33: {  	[tilespmem:s7], [sflag:$0x1] =	stream.indirect.gather [hbm4b:s5+s6], $0x80, s15, s6, $0xb8;
	[tilespmem:$0x1DC00] =	vst v63  }
0x34: {  	_ =	swait.ge [sflag:s12], $0xE000  }
0x35: {  	[sflag:s12] =	ssyncset.done $0x0  }
0x36: {  	s16 =	rddreg [dreg:$0x6];
	[sflag:s12] =	ssyncadd.s32 $0xFFFF2000  }
0x37: {  	[hbm4b:s16+s2] =	stream.linear.scatter [tilespmem:s8], [sflag:$0x4], $0xE000, $0x38;
	[tilespmem:$0x1DC00] =	vst v63  }
0x38: {  	_ =	swait.ge [sflag:s13], $0xE000  }
0x39: {  	[sflag:s13] =	ssyncset.done $0x0  }
0x3a: {  	s16 =	simm.s32 $0x8C0;
	[sflag:s13] =	ssyncadd.s32 $0xFFFF2000  }
0x3b: {  	[tilespmem:s8], [sflag:$0x2] =	stream.indirect.gather [hbm4b:s5+s6], $0x80, s16, s6, $0xb8;
	[tilespmem:$0x1DC00] =	vst v63  }
0x3c: {  	_ =	swait.ge [sflag:s9], $0xE000  }
0x3d: {  	[sflag:s9] =	ssyncset.done $0x0  }
0x3e: {  	s17 =	rddreg [dreg:$0x7];
	[sflag:s9] =	ssyncadd.s32 $0xFFFF2000  }
0x3f: {  	[hbm4b:s17+s2] =	stream.linear.scatter [tilespmem:s7], [sflag:$0x3], $0xE000, $0x38;
	[tilespmem:$0x1DC00] =	vst v63  }
0x40: {  	_ =	swait.ge [sflag:s10], $0xE000  }
0x41: {  	[sflag:s10] =	ssyncset.done $0x0  }
0x42: {  	s17 =	simm.s32 $0xA80;
	[sflag:s10] =	ssyncadd.s32 $0xFFFF2000  }
0x43: {  	[tilespmem:s7], [sflag:$0x1] =	stream.indirect.gather [hbm4b:s5+s6], $0x80, s17, s6, $0xb8;
	[tilespmem:$0x1DC00] =	vst v63  }
0x44: {  	_ =	swait.ge [sflag:s12], $0xE000  }
0x45: {  	[sflag:s12] =	ssyncset.done $0x0  }
0x46: {  	s18 =	rddreg [dreg:$0x8];
	[sflag:s12] =	ssyncadd.s32 $0xFFFF2000  }
0x47: {  	[hbm4b:s18+s2] =	stream.linear.scatter [tilespmem:s8], [sflag:$0x4], $0xE000, $0x38;
	[tilespmem:$0x1DC00] =	vst v63  }
0x48: {  	_ =	swait.ge [sflag:s13], $0xE000  }
0x49: {  	[sflag:s13] =	ssyncset.done $0x0  }
0x4a: {  	s18 =	simm.s32 $0xC40;
	[sflag:s13] =	ssyncadd.s32 $0xFFFF2000  }
0x4b: {  	[tilespmem:s8], [sflag:$0x2] =	stream.indirect.gather [hbm4b:s5+s6], $0x80, s18, s6, $0xb8;
	[tilespmem:$0x1DC00] =	vst v63  }
0x4c: {  	_ =	swait.ge [sflag:s9], $0xE000  }
0x4d: {  	[sflag:s9] =	ssyncset.done $0x0  }
0x4e: {  	s19 =	rddreg [dreg:$0x9];
	[sflag:s9] =	ssyncadd.s32 $0xFFFF2000  }
0x4f: {  	[hbm4b:s19+s2] =	stream.linear.scatter [tilespmem:s7], [sflag:$0x3], $0xE000, $0x38;
	[tilespmem:$0x1DC00] =	vst v63  }
0x50: {  	_ =	swait.ge [sflag:s10], $0xE000  }
0x51: {  	[sflag:s10] =	ssyncset.done $0x0  }
0x52: {  	s19 =	simm.s32 $0xE00;
	[sflag:s10] =	ssyncadd.s32 $0xFFFF2000  }
0x53: {  	[tilespmem:s7], [sflag:$0x1] =	stream.indirect.gather [hbm4b:s5+s6], $0x80, s19, s6, $0xb8;
	[tilespmem:$0x1DC00] =	vst v63  }
0x54: {  	_ =	swait.ge [sflag:s12], $0xE000  }
0x55: {  	[sflag:s12] =	ssyncset.done $0x0  }
0x56: {  	s20 =	rddreg [dreg:$0xa];
	[sflag:s12] =	ssyncadd.s32 $0xFFFF2000  }
0x57: {  	[hbm4b:s20+s2] =	stream.linear.scatter [tilespmem:s8], [sflag:$0x4], $0xE000, $0x38;
	[tilespmem:$0x1DC00] =	vst v63  }
0x58: {  	_ =	swait.ge [sflag:s13], $0xE000  }
0x59: {  	[sflag:s13] =	ssyncset.done $0x0  }
0x5a: {  	s20 =	simm.s32 $0xFC0;
	[sflag:s13] =	ssyncadd.s32 $0xFFFF2000  }
0x5b: {  	[tilespmem:s8], [sflag:$0x2] =	stream.indirect.gather [hbm4b:s5+s6], $0x80, s20, s6, $0xb8;
	[tilespmem:$0x1DC00] =	vst v63  }
0x5c: {  	_ =	swait.ge [sflag:s9], $0xE000  }
0x5d: {  	[sflag:s9] =	ssyncset.done $0x0  }
0x5e: {  	s21 =	rddreg [dreg:$0xb];
	[sflag:s9] =	ssyncadd.s32 $0xFFFF2000  }
0x5f: {  	[hbm4b:s21+s2] =	stream.linear.scatter [tilespmem:s7], [sflag:$0x3], $0xE000, $0x38;
	[tilespmem:$0x1DC00] =	vst v63  }
0x60: {  	_ =	swait.ge [sflag:s10], $0xE000  }
0x61: {  	[sflag:s10] =	ssyncset.done $0x0  }
0x62: {  	s21 =	simm.s32 $0x1180;
	[sflag:s10] =	ssyncadd.s32 $0xFFFF2000  }
0x63: {  	[tilespmem:s7], [sflag:$0x1] =	stream.indirect.gather [hbm4b:s5+s6], $0x80, s21, s6, $0xb8;
	[tilespmem:$0x1DC00] =	vst v63  }
0x64: {  	_ =	swait.ge [sflag:s12], $0xE000  }
0x65: {  	[sflag:s12] =	ssyncset.done $0x0  }
0x66: {  	s22 =	rddreg [dreg:$0xc];
	[sflag:s12] =	ssyncadd.s32 $0xFFFF2000  }
0x67: {  	[hbm4b:s22+s2] =	stream.linear.scatter [tilespmem:s8], [sflag:$0x4], $0xE000, $0x38;
	[tilespmem:$0x1DC00] =	vst v63  }
0x68: {  	_ =	swait.ge [sflag:s13], $0xE000  }
0x69: {  	[sflag:s13] =	ssyncset.done $0x0  }
0x6a: {  	s22 =	simm.s32 $0x1340;
	[sflag:s13] =	ssyncadd.s32 $0xFFFF2000  }
0x6b: {  	[tilespmem:s8], [sflag:$0x2] =	stream.indirect.gather [hbm4b:s5+s6], $0x80, s22, s6, $0xb8;
	[tilespmem:$0x1DC00] =	vst v63  }
0x6c: {  	_ =	swait.ge [sflag:s9], $0xE000  }
0x6d: {  	[sflag:s9] =	ssyncset.done $0x0  }
0x6e: {  	s23 =	rddreg [dreg:$0xd];
	[sflag:s9] =	ssyncadd.s32 $0xFFFF2000  }
0x6f: {  	[hbm4b:s23+s2] =	stream.linear.scatter [tilespmem:s7], [sflag:$0x3], $0xE000, $0x38;
	[tilespmem:$0x1DC00] =	vst v63  }
0x70: {  	_ =	swait.ge [sflag:s10], $0xE000  }
0x71: {  	[sflag:s10] =	ssyncset.done $0x0  }
0x72: {  	s23 =	simm.s32 $0x1500;
	[sflag:s10] =	ssyncadd.s32 $0xFFFF2000  }
0x73: {  	[tilespmem:s7], [sflag:$0x1] =	stream.indirect.gather [hbm4b:s5+s6], $0x80, s23, s6, $0xb8;
	[tilespmem:$0x1DC00] =	vst v63  }
0x74: {  	_ =	swait.ge [sflag:s12], $0xE000  }
0x75: {  	[sflag:s12] =	ssyncset.done $0x0  }
0x76: {  	s24 =	rddreg [dreg:$0xe];
	[sflag:s12] =	ssyncadd.s32 $0xFFFF2000  }
0x77: {  	[hbm4b:s24+s2] =	stream.linear.scatter [tilespmem:s8], [sflag:$0x4], $0xE000, $0x38;
	[tilespmem:$0x1DC00] =	vst v63  }
0x78: {  	_ =	swait.ge [sflag:s13], $0xE000  }
0x79: {  	[sflag:s13] =	ssyncset.done $0x0  }
0x7a: {  	s24 =	simm.s32 $0x16C0;
	[sflag:s13] =	ssyncadd.s32 $0xFFFF2000  }
0x7b: {  	[tilespmem:s8], [sflag:$0x2] =	stream.indirect.gather [hbm4b:s5+s6], $0x80, s24, s6, $0xb8;
	[tilespmem:$0x1DC00] =	vst v63  }
0x7c: {  	_ =	swait.ge [sflag:s9], $0xE000  }
0x7d: {  	[sflag:s9] =	ssyncset.done $0x0  }
0x7e: {  	s25 =	sadd.s32 $0x15000, s31;
	[sflag:s9] =	ssyncadd.s32 $0xFFFF2000  }
0x7f: {  	[hbm4b:s25+s2] =	stream.linear.scatter [tilespmem:s7], [sflag:$0x3], $0xE000, $0x38;
	[tilespmem:$0x1DC00] =	vst v63  }
0x80: {  	_ =	swait.ge [sflag:s10], $0xE000  }
0x81: {  	[sflag:s10] =	ssyncset.done $0x0  }
0x82: {  	s26 =	simm.s32 $0x1880;
	[sflag:s10] =	ssyncadd.s32 $0xFFFF2000  }
0x83: {  	[tilespmem:s7], [sflag:$0x1] =	stream.indirect.gather [hbm4b:s5+s6], $0x80, s26, s6, $0xb8;
	[tilespmem:$0x1DC00] =	vst v63  }
0x84: {  	_ =	swait.ge [sflag:s12], $0xE000  }
0x85: {  	[sflag:s12] =	ssyncset.done $0x0  }
0x86: {  	s28 =	sadd.s32 $0x16C00, s31;
	[sflag:s12] =	ssyncadd.s32 $0xFFFF2000  }
0x87: {  	[hbm4b:s28+s2] =	stream.linear.scatter [tilespmem:s8], [sflag:$0x4], $0xE000, $0x38;
	[tilespmem:$0x1DC00] =	vst v63  }
0x88: {  	_ =	swait.ge [sflag:s13], $0xE000  }
0x89: {  	[sflag:s13] =	ssyncset.done $0x0  }
0x8a: {  	s29 =	simm.s32 $0x1A40;
	[sflag:s13] =	ssyncadd.s32 $0xFFFF2000  }
0x8b: {  	[tilespmem:s8], [sflag:$0x2] =	stream.indirect.gather [hbm4b:s5+s6], $0x80, s29, s6, $0xb8;
	[tilespmem:$0x1DC00] =	vst v63  }
0x8c: {  	_ =	swait.ge [sflag:s9], $0xE000  }
0x8d: {  	s1 =	ssub.s32 $0x2, s1;
	[sflag:s9] =	ssyncset.done $0x0  }
0x8e: {  	s0 =	sshrl.u32 s1, $0x1;
	s30 =	sadd.s32 $0x18800, s31;
	[sflag:s9] =	ssyncadd.s32 $0xFFFF2000  }
0x8f: {  	[hbm4b:s30+s2] =	stream.linear.scatter [tilespmem:s7], [sflag:$0x3], $0xE000, $0x38;
	[tilespmem:$0x1DC00] =	vst v63  }
0x90: {  	s0 =	ssub.s32 s1, s0;
	_ =	swait.ge [sflag:s12], $0xE000  }
0x91: {  	s0 =	smax.u32 s0, $0x1;
	[sflag:s12] =	ssyncset.done $0x0  }
0x92: {  	p0 =	sne.s32 s0, $0x1;
	s31 =	sadd.s32 $0x1A400, s31;
	[sflag:s12] =	ssyncadd.s32 $0xFFFF2000  }
0x93: {  	[hbm4b:s31+s2] =	stream.linear.scatter [tilespmem:s8], [sflag:$0x4], $0xE000, $0x38;
	[tilespmem:$0x1DC00] =	vst v63  }
.Ltmp0:
0x94: {  	_ =	swait.ge [sflag:s10], $0xE000;
	(pc) =	sbr.rel @!p0 .LBB2_2-.Ltmp0, $4  }
0x95: {  	[sflag:s10] =	ssyncset.done $0x0  }
0x96: {  	[sflag:s10] =	ssyncadd.s32 $0xFFFF2000  }
0x97: {  	_ =	swait.ge [sflag:s13], $0xE000  }
0x98: {  	s1 =	sadd.s32 $0xFFFFFFFF, s0;
	[sflag:s13] =	ssyncset.done $0x0  }
.LBB2_1:
0x99: {  	s0 =	rddreg [dreg:$0x3];
	[sflag:s13] =	ssyncadd.s32 $0xFFFF2000  }
0x9a: {  	[tilespmem:s2], [sflag:$0x5] =	stream.linear.gather [hbm4b:s0+s2], $0x1C00, $0x38;
	[tilespmem:$0x1DC00] =	vst v63  }
0x9b: {  	_ =	swait.ge [sflag:s4], $0x1C00  }
0x9c: {  	[sflag:s4] =	ssyncset.done $0x0  }
0x9d: {  	[sflag:s4] =	ssyncadd.s32 $0xFFFFE400  }
0x9e: {  	[tilespmem:s7], [sflag:$0x1] =	stream.indirect.gather [hbm4b:s5+s6], $0x80, s2, s6, $0xb8;
	[tilespmem:$0x1DC00] =	vst v63  }
0x9f: {  	_ = 	snop  }
0xa0: {  	[tilespmem:s8], [sflag:$0x2] =	stream.indirect.gather [hbm4b:s5+s6], $0x80, s6, s6, $0xb8;
	[tilespmem:$0x1DC00] =	vst v63  }
0xa1: {  	_ =	swait.ge [sflag:s9], $0xE000  }
0xa2: {  	[sflag:s9] =	ssyncset.done $0x0  }
0xa3: {  	[sflag:s9] =	ssyncadd.s32 $0xFFFF2000  }
0xa4: {  	[hbm4b:s3+s2] =	stream.linear.scatter [tilespmem:s7], [sflag:$0x3], $0xE000, $0x38;
	[tilespmem:$0x1DC00] =	vst v63  }
0xa5: {  	_ =	swait.ge [sflag:s10], $0xE000  }
0xa6: {  	[sflag:s10] =	ssyncset.done $0x0  }
0xa7: {  	[sflag:s10] =	ssyncadd.s32 $0xFFFF2000  }
0xa8: {  	[tilespmem:s7], [sflag:$0x1] =	stream.indirect.gather [hbm4b:s5+s6], $0x80, s11, s6, $0xb8;
	[tilespmem:$0x1DC00] =	vst v63  }
0xa9: {  	_ =	swait.ge [sflag:s12], $0xE000  }
0xaa: {  	[sflag:s12] =	ssyncset.done $0x0  }
0xab: {  	s0 =	rddreg [dreg:$0x4];
	[sflag:s12] =	ssyncadd.s32 $0xFFFF2000  }
0xac: {  	[hbm4b:s0+s2] =	stream.linear.scatter [tilespmem:s8], [sflag:$0x4], $0xE000, $0x38;
	[tilespmem:$0x1DC00] =	vst v63  }
0xad: {  	_ =	swait.ge [sflag:s13], $0xE000  }
0xae: {  	[sflag:s13] =	ssyncset.done $0x0  }
0xaf: {  	[sflag:s13] =	ssyncadd.s32 $0xFFFF2000  }
0xb0: {  	[tilespmem:s8], [sflag:$0x2] =	stream.indirect.gather [hbm4b:s5+s6], $0x80, s14, s6, $0xb8;
	[tilespmem:$0x1DC00] =	vst v63  }
0xb1: {  	_ =	swait.ge [sflag:s9], $0xE000  }
0xb2: {  	[sflag:s9] =	ssyncset.done $0x0  }
0xb3: {  	s0 =	rddreg [dreg:$0x5];
	[sflag:s9] =	ssyncadd.s32 $0xFFFF2000  }
0xb4: {  	[hbm4b:s0+s2] =	stream.linear.scatter [tilespmem:s7], [sflag:$0x3], $0xE000, $0x38;
	[tilespmem:$0x1DC00] =	vst v63  }
0xb5: {  	_ =	swait.ge [sflag:s10], $0xE000  }
0xb6: {  	[sflag:s10] =	ssyncset.done $0x0  }
0xb7: {  	[sflag:s10] =	ssyncadd.s32 $0xFFFF2000  }
0xb8: {  	[tilespmem:s7], [sflag:$0x1] =	stream.indirect.gather [hbm4b:s5+s6], $0x80, s15, s6, $0xb8;
	[tilespmem:$0x1DC00] =	vst v63  }
0xb9: {  	_ =	swait.ge [sflag:s12], $0xE000  }
0xba: {  	[sflag:s12] =	ssyncset.done $0x0  }
0xbb: {  	s0 =	rddreg [dreg:$0x6];
	[sflag:s12] =	ssyncadd.s32 $0xFFFF2000  }
0xbc: {  	[hbm4b:s0+s2] =	stream.linear.scatter [tilespmem:s8], [sflag:$0x4], $0xE000, $0x38;
	[tilespmem:$0x1DC00] =	vst v63  }
0xbd: {  	_ =	swait.ge [sflag:s13], $0xE000  }
0xbe: {  	[sflag:s13] =	ssyncset.done $0x0  }
0xbf: {  	[sflag:s13] =	ssyncadd.s32 $0xFFFF2000  }
0xc0: {  	[tilespmem:s8], [sflag:$0x2] =	stream.indirect.gather [hbm4b:s5+s6], $0x80, s16, s6, $0xb8;
	[tilespmem:$0x1DC00] =	vst v63  }
0xc1: {  	_ =	swait.ge [sflag:s9], $0xE000  }
0xc2: {  	[sflag:s9] =	ssyncset.done $0x0  }
0xc3: {  	s0 =	rddreg [dreg:$0x7];
	[sflag:s9] =	ssyncadd.s32 $0xFFFF2000  }
0xc4: {  	[hbm4b:s0+s2] =	stream.linear.scatter [tilespmem:s7], [sflag:$0x3], $0xE000, $0x38;
	[tilespmem:$0x1DC00] =	vst v63  }
0xc5: {  	_ =	swait.ge [sflag:s10], $0xE000  }
0xc6: {  	[sflag:s10] =	ssyncset.done $0x0  }
0xc7: {  	[sflag:s10] =	ssyncadd.s32 $0xFFFF2000  }
0xc8: {  	[tilespmem:s7], [sflag:$0x1] =	stream.indirect.gather [hbm4b:s5+s6], $0x80, s17, s6, $0xb8;
	[tilespmem:$0x1DC00] =	vst v63  }
0xc9: {  	_ =	swait.ge [sflag:s12], $0xE000  }
0xca: {  	[sflag:s12] =	ssyncset.done $0x0  }
0xcb: {  	s0 =	rddreg [dreg:$0x8];
	[sflag:s12] =	ssyncadd.s32 $0xFFFF2000  }
0xcc: {  	[hbm4b:s0+s2] =	stream.linear.scatter [tilespmem:s8], [sflag:$0x4], $0xE000, $0x38;
	[tilespmem:$0x1DC00] =	vst v63  }
0xcd: {  	_ =	swait.ge [sflag:s13], $0xE000  }
0xce: {  	[sflag:s13] =	ssyncset.done $0x0  }
0xcf: {  	[sflag:s13] =	ssyncadd.s32 $0xFFFF2000  }
0xd0: {  	[tilespmem:s8], [sflag:$0x2] =	stream.indirect.gather [hbm4b:s5+s6], $0x80, s18, s6, $0xb8;
	[tilespmem:$0x1DC00] =	vst v63  }
0xd1: {  	_ =	swait.ge [sflag:s9], $0xE000  }
0xd2: {  	[sflag:s9] =	ssyncset.done $0x0  }
0xd3: {  	s0 =	rddreg [dreg:$0x9];
	[sflag:s9] =	ssyncadd.s32 $0xFFFF2000  }
0xd4: {  	[hbm4b:s0+s2] =	stream.linear.scatter [tilespmem:s7], [sflag:$0x3], $0xE000, $0x38;
	[tilespmem:$0x1DC00] =	vst v63  }
0xd5: {  	_ =	swait.ge [sflag:s10], $0xE000  }
0xd6: {  	[sflag:s10] =	ssyncset.done $0x0  }
0xd7: {  	[sflag:s10] =	ssyncadd.s32 $0xFFFF2000  }
0xd8: {  	[tilespmem:s7], [sflag:$0x1] =	stream.indirect.gather [hbm4b:s5+s6], $0x80, s19, s6, $0xb8;
	[tilespmem:$0x1DC00] =	vst v63  }
0xd9: {  	_ =	swait.ge [sflag:s12], $0xE000  }
0xda: {  	[sflag:s12] =	ssyncset.done $0x0  }
0xdb: {  	s0 =	rddreg [dreg:$0xa];
	[sflag:s12] =	ssyncadd.s32 $0xFFFF2000  }
0xdc: {  	[hbm4b:s0+s2] =	stream.linear.scatter [tilespmem:s8], [sflag:$0x4], $0xE000, $0x38;
	[tilespmem:$0x1DC00] =	vst v63  }
0xdd: {  	_ =	swait.ge [sflag:s13], $0xE000  }
0xde: {  	[sflag:s13] =	ssyncset.done $0x0  }
0xdf: {  	[sflag:s13] =	ssyncadd.s32 $0xFFFF2000  }
0xe0: {  	[tilespmem:s8], [sflag:$0x2] =	stream.indirect.gather [hbm4b:s5+s6], $0x80, s20, s6, $0xb8;
	[tilespmem:$0x1DC00] =	vst v63  }
0xe1: {  	_ =	swait.ge [sflag:s9], $0xE000  }
0xe2: {  	[sflag:s9] =	ssyncset.done $0x0  }
0xe3: {  	s0 =	rddreg [dreg:$0xb];
	[sflag:s9] =	ssyncadd.s32 $0xFFFF2000  }
0xe4: {  	[hbm4b:s0+s2] =	stream.linear.scatter [tilespmem:s7], [sflag:$0x3], $0xE000, $0x38;
	[tilespmem:$0x1DC00] =	vst v63  }
0xe5: {  	_ =	swait.ge [sflag:s10], $0xE000  }
0xe6: {  	[sflag:s10] =	ssyncset.done $0x0  }
0xe7: {  	[sflag:s10] =	ssyncadd.s32 $0xFFFF2000  }
0xe8: {  	[tilespmem:s7], [sflag:$0x1] =	stream.indirect.gather [hbm4b:s5+s6], $0x80, s21, s6, $0xb8;
	[tilespmem:$0x1DC00] =	vst v63  }
0xe9: {  	_ =	swait.ge [sflag:s12], $0xE000  }
0xea: {  	[sflag:s12] =	ssyncset.done $0x0  }
0xeb: {  	s0 =	rddreg [dreg:$0xc];
	[sflag:s12] =	ssyncadd.s32 $0xFFFF2000  }
0xec: {  	[hbm4b:s0+s2] =	stream.linear.scatter [tilespmem:s8], [sflag:$0x4], $0xE000, $0x38;
	[tilespmem:$0x1DC00] =	vst v63  }
0xed: {  	_ =	swait.ge [sflag:s13], $0xE000  }
0xee: {  	[sflag:s13] =	ssyncset.done $0x0  }
0xef: {  	[sflag:s13] =	ssyncadd.s32 $0xFFFF2000  }
0xf0: {  	[tilespmem:s8], [sflag:$0x2] =	stream.indirect.gather [hbm4b:s5+s6], $0x80, s22, s6, $0xb8;
	[tilespmem:$0x1DC00] =	vst v63  }
0xf1: {  	_ =	swait.ge [sflag:s9], $0xE000  }
0xf2: {  	[sflag:s9] =	ssyncset.done $0x0  }
0xf3: {  	s0 =	rddreg [dreg:$0xd];
	[sflag:s9] =	ssyncadd.s32 $0xFFFF2000  }
0xf4: {  	[hbm4b:s0+s2] =	stream.linear.scatter [tilespmem:s7], [sflag:$0x3], $0xE000, $0x38;
	[tilespmem:$0x1DC00] =	vst v63  }
0xf5: {  	_ =	swait.ge [sflag:s10], $0xE000  }
0xf6: {  	[sflag:s10] =	ssyncset.done $0x0  }
0xf7: {  	[sflag:s10] =	ssyncadd.s32 $0xFFFF2000  }
0xf8: {  	[tilespmem:s7], [sflag:$0x1] =	stream.indirect.gather [hbm4b:s5+s6], $0x80, s23, s6, $0xb8;
	[tilespmem:$0x1DC00] =	vst v63  }
0xf9: {  	_ =	swait.ge [sflag:s12], $0xE000  }
0xfa: {  	[sflag:s12] =	ssyncset.done $0x0  }
0xfb: {  	s0 =	rddreg [dreg:$0xe];
	[sflag:s12] =	ssyncadd.s32 $0xFFFF2000  }
0xfc: {  	[hbm4b:s0+s2] =	stream.linear.scatter [tilespmem:s8], [sflag:$0x4], $0xE000, $0x38;
	[tilespmem:$0x1DC00] =	vst v63  }
0xfd: {  	_ =	swait.ge [sflag:s13], $0xE000  }
0xfe: {  	[sflag:s13] =	ssyncset.done $0x0  }
0xff: {  	[sflag:s13] =	ssyncadd.s32 $0xFFFF2000  }
0x100: {  	[tilespmem:s8], [sflag:$0x2] =	stream.indirect.gather [hbm4b:s5+s6], $0x80, s24, s6, $0xb8;
	[tilespmem:$0x1DC00] =	vst v63  }
0x101: {  	_ =	swait.ge [sflag:s9], $0xE000  }
0x102: {  	[sflag:s9] =	ssyncset.done $0x0  }
0x103: {  	[sflag:s9] =	ssyncadd.s32 $0xFFFF2000  }
0x104: {  	[hbm4b:s25+s2] =	stream.linear.scatter [tilespmem:s7], [sflag:$0x3], $0xE000, $0x38;
	[tilespmem:$0x1DC00] =	vst v63  }
0x105: {  	_ =	swait.ge [sflag:s10], $0xE000  }
0x106: {  	[sflag:s10] =	ssyncset.done $0x0  }
0x107: {  	[sflag:s10] =	ssyncadd.s32 $0xFFFF2000  }
0x108: {  	[tilespmem:s7], [sflag:$0x1] =	stream.indirect.gather [hbm4b:s5+s6], $0x80, s26, s6, $0xb8;
	[tilespmem:$0x1DC00] =	vst v63  }
0x109: {  	_ =	swait.ge [sflag:s12], $0xE000  }
0x10a: {  	[sflag:s12] =	ssyncset.done $0x0  }
0x10b: {  	[sflag:s12] =	ssyncadd.s32 $0xFFFF2000  }
0x10c: {  	[hbm4b:s28+s2] =	stream.linear.scatter [tilespmem:s8], [sflag:$0x4], $0xE000, $0x38;
	[tilespmem:$0x1DC00] =	vst v63  }
0x10d: {  	_ =	swait.ge [sflag:s13], $0xE000  }
0x10e: {  	[sflag:s13] =	ssyncset.done $0x0  }
0x10f: {  	[sflag:s13] =	ssyncadd.s32 $0xFFFF2000  }
0x110: {  	[tilespmem:s8], [sflag:$0x2] =	stream.indirect.gather [hbm4b:s5+s6], $0x80, s29, s6, $0xb8;
	[tilespmem:$0x1DC00] =	vst v63  }
0x111: {  	_ =	swait.ge [sflag:s9], $0xE000  }
0x112: {  	[sflag:s9] =	ssyncset.done $0x0  }
0x113: {  	[sflag:s9] =	ssyncadd.s32 $0xFFFF2000  }
0x114: {  	[hbm4b:s30+s2] =	stream.linear.scatter [tilespmem:s7], [sflag:$0x3], $0xE000, $0x38;
	[tilespmem:$0x1DC00] =	vst v63  }
0x115: {  	_ =	swait.ge [sflag:s12], $0xE000  }
0x116: {  	[sflag:s12] =	ssyncset.done $0x0  }
0x117: {  	p0 =	sne.s32 s1, $0x1;
	[sflag:s12] =	ssyncadd.s32 $0xFFFF2000  }
0x118: {  	[hbm4b:s31+s2] =	stream.linear.scatter [tilespmem:s8], [sflag:$0x4], $0xE000, $0x38;
	[tilespmem:$0x1DC00] =	vst v63  }
.Ltmp1:
0x119: {  	_ =	swait.ge [sflag:s10], $0xE000;
	(pc) =	sbr.rel @p0 .LBB2_1-.Ltmp1, $4  }
0x11a: {  	[sflag:s10] =	ssyncset.done $0x0  }
0x11b: {  	[sflag:s10] =	ssyncadd.s32 $0xFFFF2000  }
0x11c: {  	_ =	swait.ge [sflag:s13], $0xE000  }
0x11d: {  	s1 =	sadd.s32 $0xFFFFFFFF, s1;
	[sflag:s13] =	ssyncset.done $0x0  }
.LBB2_2:
0x11e: {  	[sflag:s13] =	ssyncadd.s32 $0xFFFF2000  }
0x11f: {  	_ =	sfence.sel $0x180000  }
0x120: {  	[bflag:$0x0] =	sbarrier.arrive $0xFFFF  }
0x121: {  	_ =	strace $0x90000047  }
0x122: {  	s0 =	stileid.u32;
	[bflag:$0x2] =	sbarrier.arrive $0xFFFF  }
0x123: {  	p0 =	sne.s32 s0, $0x0;
	s0 =	rddreg [dreg:$0x2]  }
0x124: {  	s0 =	sadd.s32 @!p0 $0x100000, s0  }
0x125: {  	[sflag:s0] =	ssyncadd.tile.s32 @!p0 $0x1;
	_ =	shalt  }
.Lfunc_end2:
_tile_overlayer_lowered:
.L_overlay_start_2:
0x126: {  	(tag) =	ssettag $0x2  }
0x127: {  	s0 =	rddreg [dreg:$0x0];
	s2 =	stileid.u32  }
0x128: {  	s1 =	rddreg [dreg:$0x1];
	p0 =	sne.s32 s2, $0x0  }
0x129: {  	s3 =	rddreg [dreg:$0x2];
	[bflag:$0x3] =	sbarrier.arrive $0xFFFF;
	s2 =	simm.s32 @!p0 $0x1C05  }
0x12a: {  	[timem:s3], [sflag:s2] =	dma.local @!p0 [hbm:s0], s1  }
0x12b: {  	s0 =	simm.s32 @!p0 $0x5  }
0x12c: {  	_ =	swait.ge @!p0 [sflag:s0], s1  }
0x12d: {  	s1 =	ssub.s32 @!p0 $0x0, s1;
	[sflag:s0] =	ssyncset.done @!p0 $0x0  }
0x12e: {  	[sflag:s0] =	ssyncadd.s32 @!p0 s1  }
0x12f: {  	[bflag:$0x3] =	sbarrier.arrive $0xFFFF  }
0x130: {  	_ =	shalt  }

// kernel: sparse-core-data-format-call.cloned.1.call-start
scs
called_computation_lowered:
.L_overlay_start_0:
0x0: {  	s2 =	sld [smem:$0x3FD9]  }
0x1: {  	s3 =	sld [smem:$0x3FFE];
	_ =	sdelay $0x1  }
0x2: {  	s1 =	srdreg.scid  }
0x3: {  	s0 =	sand.u32 $0x1, s1  }
0x4: {  	s18 =	sshll.u32 s0, $0xA;
	s2 =	sadd.s32 s3, s2  }
0x5: {  	s2 =	sadd.s32 s2, s18  }
0x6: {  	[smem:$0x3FC6] =	sst s2  }
0x7: {  	_ = 	snop  }
0x8: {  	s2 =	sld [smem:$0x3FD0];
	(tm) =	ssettm $0x1  }
0x9: {  	s19 =	sld [smem:$0x3FFB];
	_ =	sdelay $0x3  }
0xa: {  	_ =	strace s19  }
0xb: {  	s3 =	sld [smem:$0x3FFC];
	_ =	sdelay $0x3  }
0xc: {  	_ =	strace s3  }
0xd: {  	s3 =	sld [smem:$0x3FFD];
	_ =	sdelay $0x3  }
0xe: {  	_ =	strace s3  }
0xf: {  	_ =	strace $0x8FFFFFFF  }
0x10: {  	s20 =	sld [smem:$0x3FDB];
	_ =	sdelay $0x1  }
0x11: {  	s4 =	simm.s32 $_scs_section_size  }
0x12: {  	s5 =	simm.s32 $_size__tile_overlayer_lowered;
	s6 =	simm.s32 $_tile_overlayer_lowered  }
0x13: {  	s23 =	simm.s32 $0x1BFF;
	s22 =	sshll.u32 s6, $0x1;
	s3 =	sadd.s32 s4, s20  }
0x14: {  	s7 =	simm.s32 $0x0;
	s21 =	sshll.u32 s5, $0x1;
	s5 =	sadd.s32 s22, s3  }
0x15: {  	[timem:s7], [sflag:s23] =	dma.local [hbm:s5], s21  }
0x16: {  	_ =	swait.ge [sflag:s23], s21  }
0x17: {  	s4 =	ssub.s32 $0x0, s21;
	[sflag:s23] =	ssyncset.done $0x0  }
0x18: {  	[sflag:s23] =	ssyncadd.s32 s4;
	_ =	sdelay $0x1  }
0x19: {  	s24 =	simm.s32 $0x1B8B  }
0x1a: {  	_ =	swait.ge [sflag:s24], $0x1  }
0x1b: {  	[sflag:s24] =	ssyncset.done $0x0  }
0x1c: {  	s26 =	simm.s32 $0x1B8E;
	s25 =	sld [smem:$0x3FFE];
	[sflag:s24] =	ssyncadd.s32 $0xFFFFFFFF  }
0x1d: {  	s27 =	simm.s32 $execute0_lowered;
	[smem:$0x3FD2] =	sst s26  }
0x1e: {  	s5 =	sshll.u32 s27, $0x1;
	_ =	strace $0x80000049;
	[dreg:$0x1] =	wrdreg $0xFFFFFFFF  }
0x1f: {  	s28 =	simm.s32 $_size_execute0_lowered;
	s3 =	sadd.s32 s3, s5;
	[dreg:$0x0] =	wrdreg $0x0  }
0x20: {  	s5 =	sshll.u32 s28, $0x1;
	[dreg:$0x2] =	wrdreg s3  }
0x21: {  	[dreg:$0x3] =	wrdreg s5  }
0x22: {  	[dreg:$0x4] =	wrdreg $0xC0  }
0x23: {  	_ =	task [dreg:s7], $0x5FFFF  }
0x24: {  	[dreg:$0x1] =	wrdreg $0xFFFFFFFF  }
0x25: {  	[dreg:$0x0] =	wrdreg $0x60  }
0x26: {  	[dreg:$0x2] =	wrdreg s25  }
0x27: {  	[dreg:$0x3] =	wrdreg s2  }
0x28: {  	[dreg:$0x4] =	wrdreg $0x9  }
0x29: {  	_ =	task.clear_ibuf [dreg:s7], $0x5FFFF;
	_ =	strace $0x90000049  }
0x2a: {  	s29 =	simm.s32 $0x9;
	_ =	strace $0x8000004B  }
0x2b: {  	_ =	swait.ge [sflag:s29], $0x1  }
0x2c: {  	[sflag:s29] =	ssyncadd.s32 $0xFFFFFFFF  }
0x2d: {  	_ =	strace $0x9000004B  }
0x2e: {  	_ =	sfence  }
0x2f: {  	s30 =	sld [smem:$0x0];
	_ =	sdelay $0x2  }
0x30: {  	s31 =	sshll.u32 s1, $0xD;
	s1 =	sshrl.u32 s1, $0x2  }
0x31: {  	s3 =	sand.u32 $0x4000, s31;
	s1 =	sadd.s32 s1, s30  }
0x32: {  	s0 =	sor.u32 s3, s0;
	s1 =	sshll.u32 s1, $0x11  }
0x33: {  	s0 =	sor.u32 s1, s0  }
0x34: {  	s0 =	sadd.s32 $0x8F2B, s0  }
0x35: {  	[sflag:s0] =	ssyncadd.remote.s32 $0x1  }
0x36: {  	_ =	sfence.sel $0xFFFF  }
0x37: {  	[dreg:$0x0] =	wrdreg $0xFFFFFFFF;
	(pc) =	sbr.abs _section_cstart, $3  }
0x38: {  	[dreg:$0x1] =	wrdreg $0xFFFFFFFF  }
0x39: {  	_ =	task.clear_ibuf [dreg:s7], $0x2FFFF;
	_ =	strace $0x9FFFFFFF  }
0x3a: {  	(tm) =	ssettm $0x7FFFFFFF  }
0x3b: {  	_ =	shalt  }
tec
execute0_lowered:
.L_overlay_start_1:
0x0: {  	(tag) =	ssettag $0x1  }
0x1: {  	s0 =	srdreg.scid  }
0x2: {  	s1 =	sshll.u32 s0, $0x4  }
0x3: {  	s0 =	stileid.u32;
	s1 =	sand.u32 $0x10, s1  }
0x4: {  	s1 =	sor.u32 s0, s1  }
0x5: {  	s6 =	rddreg [dreg:$0x0];
	s4 =	simm.s32 $0x1;
	s2 =	sshll.u32 s1, $0x7  }
0x6: {  	s7 =	simm.s32 $0x2;
	s12 =	simm.s32 $0x0;
	s1 =	ssub.s32 $0x1000, s2  }
0x7: {  	s8 =	simm.s32 $0x8000;
	s13 =	simm.s32 $0x0;
	s3 =	sand.u32 $0xF80, s1  }
0x8: {  	s9 =	simm.s32 $0x0;
	s5 =	sshrl.u32 s1, $0xC;
	p0 =	sne.s32 s3, $0x0  }
.Ltmp0:
0x9: {  	s1 =	rddreg [dreg:$0x2];
	s4 =	simm.s32 @!p0 $0x0;
	(pc) =	sbr.rel .LBB1_1-.Ltmp0, $4  }
0xa: {  	s11 =	simm.s32 $0x0;
	s3 =	rddreg [dreg:$0x1];
	s5 =	sadd.s32 s4, s5  }
0xb: {  	_ =	strace $0x8000004A;
	s4 =	simm.s32 $0x1;
	s5 =	smul.u32 $0x32, s5  }
0xc: {  	s6 =	sadd.s32 $0xA00, s6;
	s10 =	smov.u32 s2;
	[sflag:s4] =	ssyncpa.u1 $0x0  }
0xd: {  	p0 =	por $0x0, $0x0;
	[sflag:s7] =	ssyncpa.u1 $0x0;
	s7 =	sor.u32 $0x1, s5  }
.LBB1_4:
0xe: {  	s16 =	sshll.u32 s13, $0x3;
	s17 =	sand.u32 $0x78, s13  }
0xf: {  	s30 =	sand.u32 $0x7E00, s13;
	s12 =	sshll.u32 s12, $0xF;
	s16 =	sand.u32 $0xC00, s16  }
0x10: {  	[tilespmem:s15+$0x810 ss:$0x81] =	vst.msk $0xffff, v2;
	s31 =	sand.u32 $0x7, s13;
	s16 =	sor.u32 s17, s16;
	s17 =	sadd.s32 s3, s30  }
0x11: {  	[tilespmem:s15+$0x1020 ss:$0x81] =	vst.msk $0xffff, v0;
	s13 =	sshll.u32 s31, $0x12;
	s12 =	sadd.s32 s12, s17;
	s16 =	sshrl.u32 s16, $0x3  }
0x12: {  	[tilespmem:s15+$0x0 ss:$0x81] =	vst.msk $0xffff, v1;
	s13 =	sor.u32 $0x400, s13;
	s12 =	sadd.s32 s16, s12  }
0x13: {  	[hbm4b:s12+s13] =	stream.strided.scatter [tilespmem:s14], [sflag:$0x2], $0x2000, s8, s13, $0x20;
	[tilespmem:$0x8080] =	vst v63  }
.LBB1_5:
0x14: {  	s14 =	sadd.s32 $0x1, s9  }
0x15: {  	s12 =	sadd.s32 $0x1000, s10;
	s16 =	smov.u32 s10;
	p2 =	sgt.s32 s14, $0x31  }
0x16: {  	s16 =	smov.u32 @p2 s12  }
0x17: {  	s14 =	simm.s32 @p2 $0x0;
	p2 =	sgt.s32 s16, $0xFFF  }
0x18: {  	s16 =	smov.u32 @p2 s2;
	p2 =	sne.s32 s11, s7  }
.Ltmp1:
0x19: {  	p1 =	slt.u32 s11, $0x2;
	(pc) =	sbr.rel @!p2 .LBB1_6-.Ltmp1, $4  }
0x1a: {  	s15 =	simm.s32 @!p1 $0x2  }
0x1b: {  	s13 =	smov.u32 s10;
	p0 =	por !p0, !p0;
	_ =	swait.ge @!p1 [sflag:s15], $0x2000  }
0x1c: {  	s12 =	smov.u32 s9;
	[sflag:s15] =	ssyncset.done @!p1 $0x0;
	s9 =	smov.u32 s14  }
0x1d: {  	s11 =	sadd.s32 $0x1, s11;
	[sflag:s15] =	ssyncadd.s32 @!p1 $0xFFFFE000;
	s10 =	smov.u32 s16  }
.LBB1_1:
0x1e: {  	p1 =	sge.u32 s11, s5  }
0x1f: {  	s14 =	sand.u32 @!p1 $0x1FFFFFF, s9  }
0x20: {  	s15 =	smulhi.u32 @!p1 $0x4924925, s14;
	_ =	sdelay $0x1  }
0x21: {  	s15 =	smul.u32 @!p1 $0x38, s15  }
0x22: {  	s16 =	sxor.u32 @!p1 $0xFFFFFFFF, s11;
	s17 =	smul.u32 @!p1 $0x380, s10  }
0x23: {  	s31 =	sadd.s32 $0xFFFFFFFF, s11;
	s16 =	sshll.u32 @!p1 s16, $0xD;
	s14 =	ssub.s32 @!p1 s14, s15  }
0x24: {  	s15 =	sand.u32 @!p1 $0x2000, s16;
	s16 =	sadd.s32 @!p1 s6, s17;
	s14 =	sshll.u32 @!p1 s14, $0x4  }
0x25: {  	s17 =	simm.s32 @!p1 $0x1C00;
	s14 =	sadd.s32 @!p1 s14, s16;
	s16 =	simm.s32 @!p1 $0x40  }
0x26: {  	[tilespmem:s15], [sflag:$0x1] =	stream.strided.gather @!p1 [hbm4b:s14+s16], $0x2000, s17, s16, $0x38;
	[tilespmem:$0x8080] =	vst v63  }
0x27: {  	p1 =	sge.u32 s31, s5  }
.Ltmp2:
0x28: {  	_ = 	snop;
	(pc) =	sbr.rel @p1 .LBB1_5-.Ltmp2, $1  }
0x29: {  	_ =	sdelay $0x3  }
0x2a: {  	s14 =	simm.s32 $0x1  }
0x2b: {  	_ =	swait.ge [sflag:s4], $0x2000;
	s14 =	simm.s32 @!p0 $0x0  }
0x2c: {  	[sflag:s4] =	ssyncset.done $0x0;
	s15 =	sshll.u32 s14, $0xD  }
0x2d: {  	[sflag:s4] =	ssyncadd.s32 $0xFFFFE000;
	s18 =	sor.u32 $0x20, s15  }
0x2e: {  	s14 =	smul.u32 $0x8100, s14;
	v3 =	vld [tilespmem:s18+$0x10]  }
0x2f: {  	s30 =	sand.u32 $0x1, s11;
	v2 =	vld [tilespmem:s18+$0xFFFFFFF0]  }
0x30: {  	s15 =	smul.u32 $0x8100, s30;
	s14 =	sshrl.u32 s14, $0x2;
	v0 =	vld [tilespmem:s18+$0x0]  }
0x31: {  	v1 =	vld [tilespmem:s18+$0xFFFFFFE0];
	s16 =	sor.u32 $0x4000, s14  }
0x32: {  	s31 =	sshrl.u32 s15, $0x2;
	s15 =	sadd.s32 $0x0, s16  }
0x33: {  	s17 =	simm.s32 $0x4;
	s18 =	sadd.s32 $0x40, s18;
	s14 =	sor.u32 $0x4000, s31;
	[tilespmem:s15+$0x1830 ss:$0x81] =	vst.msk $0xffff, v3  }
.LBB1_3:
0x34: {  	v3 =	vld [tilespmem:s18+$0x10];
	p1 =	sne.s32 s17, $0x1FC;
	[tilespmem:s15+$0x810 ss:$0x81] =	vst.msk $0xffff, v2;
	s19 =	smov.u32 s17;
	s17 =	sadd.s32 $0x4, s17  }
.Ltmp3:
0x35: {  	v2 =	vld [tilespmem:s18+$0xFFFFFFF0];
	[tilespmem:s15+$0x1020 ss:$0x81] =	vst.msk $0xffff, v0;
	(pc) =	sbr.rel @p1 .LBB1_3-.Ltmp3, $4  }
0x36: {  	v0 =	vld [tilespmem:s18+$0x0];
	[tilespmem:s15+$0x0 ss:$0x81] =	vst.msk $0xffff, v1  }
0x37: {  	s15 =	sshra.s32 s19, $0x2;
	v1 =	vld [tilespmem:s18+$0xFFFFFFE0]  }
0x38: {  	s15 =	sadd.s32 s15, s16  }
0x39: {  	s18 =	sadd.s32 $0x40, s18;
	[tilespmem:s15+$0x1830 ss:$0x81] =	vst.msk $0xffff, v3  }
.Ltmp4:
0x3a: {  	_ = 	snop;
	(pc) =	sbr.rel .LBB1_4-.Ltmp4, $1  }
0x3b: {  	_ =	sdelay $0x3  }
.LBB1_6:
0x3c: {  	_ =	sfence.sel $0x180000  }
0x3d: {  	s2 =	simm.s32 $0x1;
	[bflag:$0x0] =	sbarrier.arrive $0xFFFF  }
0x3e: {  	s31 =	simm.s32 $0x2;
	[sflag:s2] =	ssyncpa.u1 $0x1  }
0x3f: {  	[sflag:s31] =	ssyncpa.u1 $0x1  }
0x40: {  	p0 =	sne.s32 s0, $0x0;
	_ =	strace $0x9000004A  }
0x41: {  	s0 =	sadd.s32 @!p0 $0x100000, s1;
	[bflag:$0x2] =	sbarrier.arrive $0xFFFF  }
0x42: {  	[sflag:s0] =	ssyncadd.tile.s32 @!p0 $0x1;
	_ =	shalt  }
.Lfunc_end1:
_tile_overlayer_lowered:
.L_overlay_start_2:
0x43: {  	(tag) =	ssettag $0x2  }
0x44: {  	s0 =	rddreg [dreg:$0x0];
	s2 =	stileid.u32  }
0x45: {  	s1 =	rddreg [dreg:$0x1];
	p0 =	sne.s32 s2, $0x0  }
0x46: {  	s3 =	rddreg [dreg:$0x2];
	[bflag:$0x3] =	sbarrier.arrive $0xFFFF;
	s2 =	simm.s32 @!p0 $0x1C01  }
0x47: {  	[timem:s3], [sflag:s2] =	dma.local @!p0 [hbm:s0], s1  }
0x48: {  	s0 =	simm.s32 @!p0 $0x1  }
0x49: {  	_ =	swait.ge @!p0 [sflag:s0], s1  }
0x4a: {  	s1 =	ssub.s32 @!p0 $0x0, s1;
	[sflag:s0] =	ssyncset.done @!p0 $0x0  }
0x4b: {  	[sflag:s0] =	ssyncadd.s32 @!p0 s1  }
0x4c: {  	[bflag:$0x3] =	sbarrier.arrive $0xFFFF  }
0x4d: {  	_ =	shalt  }

</sc_bundles>
